<compile_context>
chip_gen: v7x
topology: tpu7x:2x2x1
jax: 0.10.2.dev20260603
libtpu: 0.0.44.dev20260713+nightly
codegen_flags: <defaults>
</compile_context>

<pallas_src>
import functools

import jax
import jax.numpy as jnp
from jax import lax
from jax.experimental import pallas as pl
from jax.experimental.pallas import tpu as pltpu
from jax.experimental.pallas import tpu_sc as plsc
from jax._src.pallas import mpmd

_NNUM = (4096, 16384, 65536, 262144)
_TOTAL = sum(_NNUM)
_D = 128
_NDEPTH = 4
_L = 16

_NC, _NS = 2, 16
_NW = _NC * _NS

_CH_ROWS = 128
_CH = _CH_ROWS * _D
_NCH = _TOTAL // _CH_ROWS

_NT = 1920
_CPW = _NT // _NW
_SCS_CH = _NCH - _NT
_SCS_PER_CORE = _SCS_CH // _NC

_BLK = 8 * _CH
_BLK_PER_CORE = _SCS_PER_CORE * _CH // _BLK
_DOUBLINGS = 10

_CB = (32, 160, 672)


def _depth_of(c):
    d = jnp.int32(0)
    for b in _CB:
        d = d + (c >= b).astype(jnp.int32)
    return d


def _tec_fn(emb_hbm, out_hbm, emb_v, buf_a, buf_b, tec_sem, spmem, scs_sem):
    del spmem, scs_sem
    wid = lax.axis_index("s") * _NC + lax.axis_index("c")
    pltpu.sync_copy(emb_hbm, emb_v)

    c0 = wid * _CPW
    d_lo = _depth_of(c0)
    d_hi = _depth_of(c0 + _CPW - 1)

    split = jnp.int32(_CPW)
    for b in _CB:
        rel = b - c0
        inside = jnp.logical_and(rel > 0, rel < _CPW)
        split = jnp.where(inside, jnp.minimum(split, rel), split)

    def fill(buf, d):
        row_vecs = [emb_v[pl.ds(d * _D + _L * j, _L)] for j in range(_D // _L)]

        def fill_rows(r, carry):
            for u in range(4):
                base = (4 * r + u) * _D
                for j in range(_D // _L):
                    buf[pl.ds(base + _L * j, _L)] = row_vecs[j]
            return carry

        lax.fori_loop(0, _CH_ROWS // 4, fill_rows, 0)

    def fire_range(lo, hi, buf):
        def body(k, carry):
            pltpu.async_copy(buf, out_hbm.at[pl.ds((c0 + k) * _CH, _CH)], tec_sem)
            return carry

        lax.fori_loop(lo, hi, body, 0)

    fill(buf_a, d_lo)
    fire_range(jnp.int32(0), split, buf_a)
    fill(buf_b, d_hi)
    fire_range(split, jnp.int32(_CPW), buf_b)

    def drain(k, carry):
        pltpu.make_async_copy(out_hbm.at[pl.ds(0, _CH)], buf_a, tec_sem).wait()
        return carry

    lax.fori_loop(0, _CPW, drain, 0)


def _scs_fn(emb_hbm, out_hbm, emb_v, buf_a, buf_b, tec_sem, spmem, scs_sem):
    del emb_v, buf_a, buf_b, tec_sem
    cid = lax.axis_index("c")

    pltpu.sync_copy(emb_hbm.at[pl.ds(3 * _D, _D)], spmem.at[pl.ds(0, _D)])
    n = _D
    for _ in range(_DOUBLINGS):
        pltpu.sync_copy(spmem.at[pl.ds(0, n)], spmem.at[pl.ds(n, n)])
        n *= 2

    base = (_NT + cid * _SCS_PER_CORE) * _CH

    def fire(k, carry):
        pltpu.async_copy(spmem, out_hbm.at[pl.ds(base + k * _BLK, _BLK)], scs_sem)
        return carry

    lax.fori_loop(0, _BLK_PER_CORE, fire, 0)

    def drain(k, carry):
        pltpu.make_async_copy(out_hbm.at[pl.ds(0, _BLK)], spmem, scs_sem).wait()
        return carry

    lax.fori_loop(0, _BLK_PER_CORE, drain, 0)


_SCALAR_MESH = plsc.ScalarSubcoreMesh(axis_name="c", num_cores=_NC)
_VECTOR_MESH = plsc.VectorSubcoreMesh(core_axis_name="c", subcore_axis_name="s")

_depth_pos_emb = mpmd.mpmd_map(
    [(_SCALAR_MESH, _scs_fn), (_VECTOR_MESH, _tec_fn)],
    out_types=[jax.ShapeDtypeStruct((_TOTAL * _D,), jnp.float32)],
    scratch_types=[
        pltpu.VMEM((_NDEPTH * _D,), jnp.float32) @ _VECTOR_MESH,
        pltpu.VMEM((_CH,), jnp.float32) @ _VECTOR_MESH,
        pltpu.VMEM((_CH,), jnp.float32) @ _VECTOR_MESH,
        pltpu.SemaphoreType.DMA @ _VECTOR_MESH,
        pltpu.VMEM_SHARED((_BLK,), jnp.float32),
        pltpu.SemaphoreType.DMA @ _SCALAR_MESH,
    ],
)


def kernel(data, depth_emb):
    del data
    (out,) = _depth_pos_emb(depth_emb.reshape(-1))
    return out.reshape(_TOTAL, _D)

# --- scband reference (transcript-rebuilt; emitter-appended) ---
"""Pipeline reference for scband-depth-pos-emb-53180285059783 (READ-ONLY COPY).

The authoritative reference and input builder live on the scoring server;
editing this copy changes nothing except your own understanding.
"""

import jax, jax.numpy as jnp
import numpy as np

FULL_DEPTH = 3
MAX_DEPTH = 6
START_DEPTH = 3
NNUM = (4096, 16384, 65536, 262144)  # octree node counts for depths 3..6 (8x growth per level)
NUM_EMBED = 128
TOTAL = int(sum(NNUM))


def setup_inputs(seed: int = 0) -> dict:
    key = jax.random.key(seed)
    k1, k2 = jax.random.split(key)
    data = jax.random.normal(k1, (TOTAL, NUM_EMBED), dtype=jnp.float32)
    depth_emb = jax.random.normal(k2, (MAX_DEPTH - FULL_DEPTH + 1, NUM_EMBED), dtype=jnp.float32)
    return {"data": data, "depth_emb": depth_emb}


def reference(data, depth_emb):
    # For each depth d in [start_depth, max_depth], look up row (d - full_depth)
    # of the depth embedding table and repeat it nnum[d] times, then concat.
    depth_ids = jnp.arange(START_DEPTH - FULL_DEPTH, MAX_DEPTH - FULL_DEPTH + 1)
    idx = jnp.repeat(depth_ids, jnp.array(NNUM), total_repeat_length=TOTAL)
    depth_embedding = jnp.take(depth_emb, idx, axis=0)
    return depth_embedding

if __name__ == "__main__":
    import jax
    _d = setup_inputs()
    print(jax.jit(kernel)(*tuple(_d.values())))

</pallas_src>

<mosaic_0001>
#map = affine_map<(d0) -> (0)>
#map1 = affine_map<(d0, d1) -> (0)>
module attributes {stable_mosaic.version = 14 : i64} {
  func.func @_scs_fn(%arg0: i32, %arg1: memref<512xf32, #tpu.memory_space<hbm>>, %arg2: memref<44564480xf32, #tpu.memory_space<hbm>>, %arg3: memref<512xf32, #tpu.memory_space<vmem, sc_vector_subcore>>, %arg4: memref<16384xf32, #tpu.memory_space<vmem, sc_vector_subcore>>, %arg5: memref<16384xf32, #tpu.memory_space<vmem, sc_vector_subcore>>, %arg6: memref<!tpu.dma_semaphore, #tpu.memory_space<semaphore_mem, sc_vector_subcore>>, %arg7: memref<131072xf32, #tpu.memory_space<vmem_shared>>, %arg8: memref<!tpu.dma_semaphore, #tpu.memory_space<semaphore_mem>>) attributes {dimension_semantics = [#tpu.dimension_semantics<core_parallel>], iteration_bounds = array<i64: 2>, scalar_prefetch = 0 : i64, scratch_operands = 6 : i64, tpu.core_type = #tpu.core_type<sc_scalar_subcore>, window_params = [{transform_indices = #map}, {transform_indices = #map}]} {
    "tpu.region"() ({
      %run_scoped3A = tpu.sem_alloc : memref<!tpu.dma_semaphore, #tpu.memory_space<semaphore_mem>>
      %dma_start3A = arith.constant 0 : i32
      %dma_start3A_15 = tpu.memref_slice %arg7[%dma_start3A] : memref<131072xf32, #tpu.memory_space<vmem_shared>> -> memref<128xf32, #tpu.memory_space<vmem_shared>>
      %dma_start3A_16 = arith.constant 384 : i32
      %dma_start3A_17 = tpu.memref_slice %arg1[%dma_start3A_16] : memref<512xf32, #tpu.memory_space<hbm>> -> memref<128xf32, #tpu.memory_space<hbm>>
      tpu.enqueue_dma source(%dma_start3A_17 : memref<128xf32, #tpu.memory_space<hbm>>) target(%dma_start3A_15 : memref<128xf32, #tpu.memory_space<vmem_shared>>) target_semaphore(%run_scoped3A : memref<!tpu.dma_semaphore, #tpu.memory_space<semaphore_mem>>)
      %dma_wait3A = arith.constant 0 : i32
      %dma_wait3A_18 = tpu.memref_slice %arg7[%dma_wait3A] : memref<131072xf32, #tpu.memory_space<vmem_shared>> -> memref<128xf32, #tpu.memory_space<vmem_shared>>
      %dma_wait3A_19 = arith.constant 384 : i32
      %dma_wait3A_20 = tpu.memref_slice %arg1[%dma_wait3A_19] : memref<512xf32, #tpu.memory_space<hbm>> -> memref<128xf32, #tpu.memory_space<hbm>>
      tpu.wait_dma2 semaphore(%run_scoped3A : memref<!tpu.dma_semaphore, #tpu.memory_space<semaphore_mem>>) src(%dma_wait3A_20 : memref<128xf32, #tpu.memory_space<hbm>>) dst(%dma_wait3A_18 : memref<128xf32, #tpu.memory_space<vmem_shared>>)
      tpu.yield
    }) : () -> ()
    "tpu.region"() ({
      %run_scoped3A = tpu.sem_alloc : memref<!tpu.dma_semaphore, #tpu.memory_space<semaphore_mem>>
      %dma_start3A = arith.constant 128 : i32
      %dma_start3A_15 = tpu.memref_slice %arg7[%dma_start3A] : memref<131072xf32, #tpu.memory_space<vmem_shared>> -> memref<128xf32, #tpu.memory_space<vmem_shared>>
      %dma_start3A_16 = arith.constant 0 : i32
      %dma_start3A_17 = tpu.memref_slice %arg7[%dma_start3A_16] : memref<131072xf32, #tpu.memory_space<vmem_shared>> -> memref<128xf32, #tpu.memory_space<vmem_shared>>
      tpu.enqueue_dma source(%dma_start3A_17 : memref<128xf32, #tpu.memory_space<vmem_shared>>) target(%dma_start3A_15 : memref<128xf32, #tpu.memory_space<vmem_shared>>) target_semaphore(%run_scoped3A : memref<!tpu.dma_semaphore, #tpu.memory_space<semaphore_mem>>)
      %dma_wait3A = arith.constant 128 : i32
      %dma_wait3A_18 = tpu.memref_slice %arg7[%dma_wait3A] : memref<131072xf32, #tpu.memory_space<vmem_shared>> -> memref<128xf32, #tpu.memory_space<vmem_shared>>
      %dma_wait3A_19 = arith.constant 0 : i32
      %dma_wait3A_20 = tpu.memref_slice %arg7[%dma_wait3A_19] : memref<131072xf32, #tpu.memory_space<vmem_shared>> -> memref<128xf32, #tpu.memory_space<vmem_shared>>
      tpu.wait_dma2 semaphore(%run_scoped3A : memref<!tpu.dma_semaphore, #tpu.memory_space<semaphore_mem>>) src(%dma_wait3A_20 : memref<128xf32, #tpu.memory_space<vmem_shared>>) dst(%dma_wait3A_18 : memref<128xf32, #tpu.memory_space<vmem_shared>>)
      tpu.yield
    }) : () -> ()
    "tpu.region"() ({
      %run_scoped3A = tpu.sem_alloc : memref<!tpu.dma_semaphore, #tpu.memory_space<semaphore_mem>>
      %dma_start3A = arith.constant 256 : i32
      %dma_start3A_15 = tpu.memref_slice %arg7[%dma_start3A] : memref<131072xf32, #tpu.memory_space<vmem_shared>> -> memref<256xf32, #tpu.memory_space<vmem_shared>>
      %dma_start3A_16 = arith.constant 0 : i32
      %dma_start3A_17 = tpu.memref_slice %arg7[%dma_start3A_16] : memref<131072xf32, #tpu.memory_space<vmem_shared>> -> memref<256xf32, #tpu.memory_space<vmem_shared>>
      tpu.enqueue_dma source(%dma_start3A_17 : memref<256xf32, #tpu.memory_space<vmem_shared>>) target(%dma_start3A_15 : memref<256xf32, #tpu.memory_space<vmem_shared>>) target_semaphore(%run_scoped3A : memref<!tpu.dma_semaphore, #tpu.memory_space<semaphore_mem>>)
      %dma_wait3A = arith.constant 256 : i32
      %dma_wait3A_18 = tpu.memref_slice %arg7[%dma_wait3A] : memref<131072xf32, #tpu.memory_space<vmem_shared>> -> memref<256xf32, #tpu.memory_space<vmem_shared>>
      %dma_wait3A_19 = arith.constant 0 : i32
      %dma_wait3A_20 = tpu.memref_slice %arg7[%dma_wait3A_19] : memref<131072xf32, #tpu.memory_space<vmem_shared>> -> memref<256xf32, #tpu.memory_space<vmem_shared>>
      tpu.wait_dma2 semaphore(%run_scoped3A : memref<!tpu.dma_semaphore, #tpu.memory_space<semaphore_mem>>) src(%dma_wait3A_20 : memref<256xf32, #tpu.memory_space<vmem_shared>>) dst(%dma_wait3A_18 : memref<256xf32, #tpu.memory_space<vmem_shared>>)
      tpu.yield
    }) : () -> ()
    "tpu.region"() ({
      %run_scoped3A = tpu.sem_alloc : memref<!tpu.dma_semaphore, #tpu.memory_space<semaphore_mem>>
      %dma_start3A = arith.constant 512 : i32
      %dma_start3A_15 = tpu.memref_slice %arg7[%dma_start3A] : memref<131072xf32, #tpu.memory_space<vmem_shared>> -> memref<512xf32, #tpu.memory_space<vmem_shared>>
      %dma_start3A_16 = arith.constant 0 : i32
      %dma_start3A_17 = tpu.memref_slice %arg7[%dma_start3A_16] : memref<131072xf32, #tpu.memory_space<vmem_shared>> -> memref<512xf32, #tpu.memory_space<vmem_shared>>
      tpu.enqueue_dma source(%dma_start3A_17 : memref<512xf32, #tpu.memory_space<vmem_shared>>) target(%dma_start3A_15 : memref<512xf32, #tpu.memory_space<vmem_shared>>) target_semaphore(%run_scoped3A : memref<!tpu.dma_semaphore, #tpu.memory_space<semaphore_mem>>)
      %dma_wait3A = arith.constant 512 : i32
      %dma_wait3A_18 = tpu.memref_slice %arg7[%dma_wait3A] : memref<131072xf32, #tpu.memory_space<vmem_shared>> -> memref<512xf32, #tpu.memory_space<vmem_shared>>
      %dma_wait3A_19 = arith.constant 0 : i32
      %dma_wait3A_20 = tpu.memref_slice %arg7[%dma_wait3A_19] : memref<131072xf32, #tpu.memory_space<vmem_shared>> -> memref<512xf32, #tpu.memory_space<vmem_shared>>
      tpu.wait_dma2 semaphore(%run_scoped3A : memref<!tpu.dma_semaphore, #tpu.memory_space<semaphore_mem>>) src(%dma_wait3A_20 : memref<512xf32, #tpu.memory_space<vmem_shared>>) dst(%dma_wait3A_18 : memref<512xf32, #tpu.memory_space<vmem_shared>>)
      tpu.yield
    }) : () -> ()
    "tpu.region"() ({
      %run_scoped3A = tpu.sem_alloc : memref<!tpu.dma_semaphore, #tpu.memory_space<semaphore_mem>>
      %dma_start3A = arith.constant 1024 : i32
      %dma_start3A_15 = tpu.memref_slice %arg7[%dma_start3A] : memref<131072xf32, #tpu.memory_space<vmem_shared>> -> memref<1024xf32, #tpu.memory_space<vmem_shared>>
      %dma_start3A_16 = arith.constant 0 : i32
      %dma_start3A_17 = tpu.memref_slice %arg7[%dma_start3A_16] : memref<131072xf32, #tpu.memory_space<vmem_shared>> -> memref<1024xf32, #tpu.memory_space<vmem_shared>>
      tpu.enqueue_dma source(%dma_start3A_17 : memref<1024xf32, #tpu.memory_space<vmem_shared>>) target(%dma_start3A_15 : memref<1024xf32, #tpu.memory_space<vmem_shared>>) target_semaphore(%run_scoped3A : memref<!tpu.dma_semaphore, #tpu.memory_space<semaphore_mem>>)
      %dma_wait3A = arith.constant 1024 : i32
      %dma_wait3A_18 = tpu.memref_slice %arg7[%dma_wait3A] : memref<131072xf32, #tpu.memory_space<vmem_shared>> -> memref<1024xf32, #tpu.memory_space<vmem_shared>>
      %dma_wait3A_19 = arith.constant 0 : i32
      %dma_wait3A_20 = tpu.memref_slice %arg7[%dma_wait3A_19] : memref<131072xf32, #tpu.memory_space<vmem_shared>> -> memref<1024xf32, #tpu.memory_space<vmem_shared>>
      tpu.wait_dma2 semaphore(%run_scoped3A : memref<!tpu.dma_semaphore, #tpu.memory_space<semaphore_mem>>) src(%dma_wait3A_20 : memref<1024xf32, #tpu.memory_space<vmem_shared>>) dst(%dma_wait3A_18 : memref<1024xf32, #tpu.memory_space<vmem_shared>>)
      tpu.yield
    }) : () -> ()
    "tpu.region"() ({
      %run_scoped3A = tpu.sem_alloc : memref<!tpu.dma_semaphore, #tpu.memory_space<semaphore_mem>>
      %dma_start3A = arith.constant 2048 : i32
      %dma_start3A_15 = tpu.memref_slice %arg7[%dma_start3A] : memref<131072xf32, #tpu.memory_space<vmem_shared>> -> memref<2048xf32, #tpu.memory_space<vmem_shared>>
      %dma_start3A_16 = arith.constant 0 : i32
      %dma_start3A_17 = tpu.memref_slice %arg7[%dma_start3A_16] : memref<131072xf32, #tpu.memory_space<vmem_shared>> -> memref<2048xf32, #tpu.memory_space<vmem_shared>>
      tpu.enqueue_dma source(%dma_start3A_17 : memref<2048xf32, #tpu.memory_space<vmem_shared>>) target(%dma_start3A_15 : memref<2048xf32, #tpu.memory_space<vmem_shared>>) target_semaphore(%run_scoped3A : memref<!tpu.dma_semaphore, #tpu.memory_space<semaphore_mem>>)
      %dma_wait3A = arith.constant 2048 : i32
      %dma_wait3A_18 = tpu.memref_slice %arg7[%dma_wait3A] : memref<131072xf32, #tpu.memory_space<vmem_shared>> -> memref<2048xf32, #tpu.memory_space<vmem_shared>>
      %dma_wait3A_19 = arith.constant 0 : i32
      %dma_wait3A_20 = tpu.memref_slice %arg7[%dma_wait3A_19] : memref<131072xf32, #tpu.memory_space<vmem_shared>> -> memref<2048xf32, #tpu.memory_space<vmem_shared>>
      tpu.wait_dma2 semaphore(%run_scoped3A : memref<!tpu.dma_semaphore, #tpu.memory_space<semaphore_mem>>) src(%dma_wait3A_20 : memref<2048xf32, #tpu.memory_space<vmem_shared>>) dst(%dma_wait3A_18 : memref<2048xf32, #tpu.memory_space<vmem_shared>>)
      tpu.yield
    }) : () -> ()
    "tpu.region"() ({
      %run_scoped3A = tpu.sem_alloc : memref<!tpu.dma_semaphore, #tpu.memory_space<semaphore_mem>>
      %dma_start3A = arith.constant 4096 : i32
      %dma_start3A_15 = tpu.memref_slice %arg7[%dma_start3A] : memref<131072xf32, #tpu.memory_space<vmem_shared>> -> memref<4096xf32, #tpu.memory_space<vmem_shared>>
      %dma_start3A_16 = arith.constant 0 : i32
      %dma_start3A_17 = tpu.memref_slice %arg7[%dma_start3A_16] : memref<131072xf32, #tpu.memory_space<vmem_shared>> -> memref<4096xf32, #tpu.memory_space<vmem_shared>>
      tpu.enqueue_dma source(%dma_start3A_17 : memref<4096xf32, #tpu.memory_space<vmem_shared>>) target(%dma_start3A_15 : memref<4096xf32, #tpu.memory_space<vmem_shared>>) target_semaphore(%run_scoped3A : memref<!tpu.dma_semaphore, #tpu.memory_space<semaphore_mem>>)
      %dma_wait3A = arith.constant 4096 : i32
      %dma_wait3A_18 = tpu.memref_slice %arg7[%dma_wait3A] : memref<131072xf32, #tpu.memory_space<vmem_shared>> -> memref<4096xf32, #tpu.memory_space<vmem_shared>>
      %dma_wait3A_19 = arith.constant 0 : i32
      %dma_wait3A_20 = tpu.memref_slice %arg7[%dma_wait3A_19] : memref<131072xf32, #tpu.memory_space<vmem_shared>> -> memref<4096xf32, #tpu.memory_space<vmem_shared>>
      tpu.wait_dma2 semaphore(%run_scoped3A : memref<!tpu.dma_semaphore, #tpu.memory_space<semaphore_mem>>) src(%dma_wait3A_20 : memref<4096xf32, #tpu.memory_space<vmem_shared>>) dst(%dma_wait3A_18 : memref<4096xf32, #tpu.memory_space<vmem_shared>>)
      tpu.yield
    }) : () -> ()
    "tpu.region"() ({
      %run_scoped3A = tpu.sem_alloc : memref<!tpu.dma_semaphore, #tpu.memory_space<semaphore_mem>>
      %dma_start3A = arith.constant 8192 : i32
      %dma_start3A_15 = tpu.memref_slice %arg7[%dma_start3A] : memref<131072xf32, #tpu.memory_space<vmem_shared>> -> memref<8192xf32, #tpu.memory_space<vmem_shared>>
      %dma_start3A_16 = arith.constant 0 : i32
      %dma_start3A_17 = tpu.memref_slice %arg7[%dma_start3A_16] : memref<131072xf32, #tpu.memory_space<vmem_shared>> -> memref<8192xf32, #tpu.memory_space<vmem_shared>>
      tpu.enqueue_dma source(%dma_start3A_17 : memref<8192xf32, #tpu.memory_space<vmem_shared>>) target(%dma_start3A_15 : memref<8192xf32, #tpu.memory_space<vmem_shared>>) target_semaphore(%run_scoped3A : memref<!tpu.dma_semaphore, #tpu.memory_space<semaphore_mem>>)
      %dma_wait3A = arith.constant 8192 : i32
      %dma_wait3A_18 = tpu.memref_slice %arg7[%dma_wait3A] : memref<131072xf32, #tpu.memory_space<vmem_shared>> -> memref<8192xf32, #tpu.memory_space<vmem_shared>>
      %dma_wait3A_19 = arith.constant 0 : i32
      %dma_wait3A_20 = tpu.memref_slice %arg7[%dma_wait3A_19] : memref<131072xf32, #tpu.memory_space<vmem_shared>> -> memref<8192xf32, #tpu.memory_space<vmem_shared>>
      tpu.wait_dma2 semaphore(%run_scoped3A : memref<!tpu.dma_semaphore, #tpu.memory_space<semaphore_mem>>) src(%dma_wait3A_20 : memref<8192xf32, #tpu.memory_space<vmem_shared>>) dst(%dma_wait3A_18 : memref<8192xf32, #tpu.memory_space<vmem_shared>>)
      tpu.yield
    }) : () -> ()
    "tpu.region"() ({
      %run_scoped3A = tpu.sem_alloc : memref<!tpu.dma_semaphore, #tpu.memory_space<semaphore_mem>>
      %dma_start3A = arith.constant 16384 : i32
      %dma_start3A_15 = tpu.memref_slice %arg7[%dma_start3A] : memref<131072xf32, #tpu.memory_space<vmem_shared>> -> memref<16384xf32, #tpu.memory_space<vmem_shared>>
      %dma_start3A_16 = arith.constant 0 : i32
      %dma_start3A_17 = tpu.memref_slice %arg7[%dma_start3A_16] : memref<131072xf32, #tpu.memory_space<vmem_shared>> -> memref<16384xf32, #tpu.memory_space<vmem_shared>>
      tpu.enqueue_dma source(%dma_start3A_17 : memref<16384xf32, #tpu.memory_space<vmem_shared>>) target(%dma_start3A_15 : memref<16384xf32, #tpu.memory_space<vmem_shared>>) target_semaphore(%run_scoped3A : memref<!tpu.dma_semaphore, #tpu.memory_space<semaphore_mem>>)
      %dma_wait3A = arith.constant 16384 : i32
      %dma_wait3A_18 = tpu.memref_slice %arg7[%dma_wait3A] : memref<131072xf32, #tpu.memory_space<vmem_shared>> -> memref<16384xf32, #tpu.memory_space<vmem_shared>>
      %dma_wait3A_19 = arith.constant 0 : i32
      %dma_wait3A_20 = tpu.memref_slice %arg7[%dma_wait3A_19] : memref<131072xf32, #tpu.memory_space<vmem_shared>> -> memref<16384xf32, #tpu.memory_space<vmem_shared>>
      tpu.wait_dma2 semaphore(%run_scoped3A : memref<!tpu.dma_semaphore, #tpu.memory_space<semaphore_mem>>) src(%dma_wait3A_20 : memref<16384xf32, #tpu.memory_space<vmem_shared>>) dst(%dma_wait3A_18 : memref<16384xf32, #tpu.memory_space<vmem_shared>>)
      tpu.yield
    }) : () -> ()
    "tpu.region"() ({
      %run_scoped3A = tpu.sem_alloc : memref<!tpu.dma_semaphore, #tpu.memory_space<semaphore_mem>>
      %dma_start3A = arith.constant 32768 : i32
      %dma_start3A_15 = tpu.memref_slice %arg7[%dma_start3A] : memref<131072xf32, #tpu.memory_space<vmem_shared>> -> memref<32768xf32, #tpu.memory_space<vmem_shared>>
      %dma_start3A_16 = arith.constant 0 : i32
      %dma_start3A_17 = tpu.memref_slice %arg7[%dma_start3A_16] : memref<131072xf32, #tpu.memory_space<vmem_shared>> -> memref<32768xf32, #tpu.memory_space<vmem_shared>>
      tpu.enqueue_dma source(%dma_start3A_17 : memref<32768xf32, #tpu.memory_space<vmem_shared>>) target(%dma_start3A_15 : memref<32768xf32, #tpu.memory_space<vmem_shared>>) target_semaphore(%run_scoped3A : memref<!tpu.dma_semaphore, #tpu.memory_space<semaphore_mem>>)
      %dma_wait3A = arith.constant 32768 : i32
      %dma_wait3A_18 = tpu.memref_slice %arg7[%dma_wait3A] : memref<131072xf32, #tpu.memory_space<vmem_shared>> -> memref<32768xf32, #tpu.memory_space<vmem_shared>>
      %dma_wait3A_19 = arith.constant 0 : i32
      %dma_wait3A_20 = tpu.memref_slice %arg7[%dma_wait3A_19] : memref<131072xf32, #tpu.memory_space<vmem_shared>> -> memref<32768xf32, #tpu.memory_space<vmem_shared>>
      tpu.wait_dma2 semaphore(%run_scoped3A : memref<!tpu.dma_semaphore, #tpu.memory_space<semaphore_mem>>) src(%dma_wait3A_20 : memref<32768xf32, #tpu.memory_space<vmem_shared>>) dst(%dma_wait3A_18 : memref<32768xf32, #tpu.memory_space<vmem_shared>>)
      tpu.yield
    }) : () -> ()
    "tpu.region"() ({
      %run_scoped3A = tpu.sem_alloc : memref<!tpu.dma_semaphore, #tpu.memory_space<semaphore_mem>>
      %dma_start3A = arith.constant 65536 : i32
      %dma_start3A_15 = tpu.memref_slice %arg7[%dma_start3A] : memref<131072xf32, #tpu.memory_space<vmem_shared>> -> memref<65536xf32, #tpu.memory_space<vmem_shared>>
      %dma_start3A_16 = arith.constant 0 : i32
      %dma_start3A_17 = tpu.memref_slice %arg7[%dma_start3A_16] : memref<131072xf32, #tpu.memory_space<vmem_shared>> -> memref<65536xf32, #tpu.memory_space<vmem_shared>>
      tpu.enqueue_dma source(%dma_start3A_17 : memref<65536xf32, #tpu.memory_space<vmem_shared>>) target(%dma_start3A_15 : memref<65536xf32, #tpu.memory_space<vmem_shared>>) target_semaphore(%run_scoped3A : memref<!tpu.dma_semaphore, #tpu.memory_space<semaphore_mem>>)
      %dma_wait3A = arith.constant 65536 : i32
      %dma_wait3A_18 = tpu.memref_slice %arg7[%dma_wait3A] : memref<131072xf32, #tpu.memory_space<vmem_shared>> -> memref<65536xf32, #tpu.memory_space<vmem_shared>>
      %dma_wait3A_19 = arith.constant 0 : i32
      %dma_wait3A_20 = tpu.memref_slice %arg7[%dma_wait3A_19] : memref<131072xf32, #tpu.memory_space<vmem_shared>> -> memref<65536xf32, #tpu.memory_space<vmem_shared>>
      tpu.wait_dma2 semaphore(%run_scoped3A : memref<!tpu.dma_semaphore, #tpu.memory_space<semaphore_mem>>) src(%dma_wait3A_20 : memref<65536xf32, #tpu.memory_space<vmem_shared>>) dst(%dma_wait3A_18 : memref<65536xf32, #tpu.memory_space<vmem_shared>>)
      tpu.yield
    }) : () -> ()
    %mul3A = arith.constant 400 : i32
    %mul3A_0 = arith.muli %arg0, %mul3A : i32
    %add3A = arith.constant 1920 : i32
    %add3A_1 = arith.addi %add3A, %mul3A_0 : i32
    %mul3A_2 = arith.constant 16384 : i32
    %mul3A_3 = arith.muli %add3A_1, %mul3A_2 : i32
    %scan3A = arith.constant 0 : i32
    %scan3A_4 = arith.constant 0 : i32
    %scan3A_5 = arith.constant 50 : i32
    %scan3A_6 = arith.addi %scan3A_4, %scan3A_5 : i32
    %scan3A_7 = arith.constant 1 : i32
    scf.for %scan3A_15 = %scan3A_4 to %scan3A_6 step %scan3A_7  : i32 {
      %mul3A_16 = arith.constant 131072 : i32
      %mul3A_17 = arith.muli %scan3A_15, %mul3A_16 : i32
      %add3A_18 = arith.addi %mul3A_3, %mul3A_17 : i32
      %dma_start3A = tpu.memref_slice %arg2[%add3A_18] : memref<44564480xf32, #tpu.memory_space<hbm>> -> memref<131072xf32, #tpu.memory_space<hbm>>
      tpu.enqueue_dma source(%arg7 : memref<131072xf32, #tpu.memory_space<vmem_shared>>) target(%dma_start3A : memref<131072xf32, #tpu.memory_space<hbm>>) target_semaphore(%arg8 : memref<!tpu.dma_semaphore, #tpu.memory_space<semaphore_mem>>)
    }
    %scan3A_8 = arith.constant 50 : i32
    %scan3A_9 = arith.constant 0 : i32
    %scan3A_10 = arith.constant 0 : i32
    %scan3A_11 = arith.constant 50 : i32
    %scan3A_12 = arith.addi %scan3A_10, %scan3A_11 : i32
    %scan3A_13 = arith.constant 1 : i32
    scf.for %scan3A_15 = %scan3A_10 to %scan3A_12 step %scan3A_13  : i32 {
      %dma_wait3A = arith.constant 0 : i32
      %dma_wait3A_16 = tpu.memref_slice %arg2[%dma_wait3A] : memref<44564480xf32, #tpu.memory_space<hbm>> -> memref<131072xf32, #tpu.memory_space<hbm>>
      tpu.wait_dma2 semaphore(%arg8 : memref<!tpu.dma_semaphore, #tpu.memory_space<semaphore_mem>>) src(%dma_wait3A_16 : memref<131072xf32, #tpu.memory_space<hbm>>) dst(%arg7 : memref<131072xf32, #tpu.memory_space<vmem_shared>>)
    }
    %scan3A_14 = arith.constant 50 : i32
    return
  }
  func.func @_tec_fn(%arg0: i32, %arg1: i32, %arg2: memref<512xf32, #tpu.memory_space<hbm>>, %arg3: memref<44564480xf32, #tpu.memory_space<hbm>>, %arg4: memref<512xf32, #tpu.memory_space<vmem>>, %arg5: memref<16384xf32, #tpu.memory_space<vmem>>, %arg6: memref<16384xf32, #tpu.memory_space<vmem>>, %arg7: memref<!tpu.dma_semaphore, #tpu.memory_space<semaphore_mem>>, %arg8: memref<131072xf32, #tpu.memory_space<vmem_shared>>, %arg9: memref<!tpu.dma_semaphore, #tpu.memory_space<semaphore_mem, sc_scalar_subcore>>) attributes {dimension_semantics = [#tpu.dimension_semantics<core_parallel>, #tpu.dimension_semantics<subcore_parallel>], iteration_bounds = array<i64: 2, 16>, scalar_prefetch = 0 : i64, scratch_operands = 6 : i64, tpu.core_type = #tpu.core_type<sc_vector_subcore>, window_params = [{transform_indices = #map1}, {transform_indices = #map1}]} {
    %mul3A = arith.constant 2 : i32
    %mul3A_0 = arith.muli %arg1, %mul3A : i32
    %add3A = arith.addi %mul3A_0, %arg0 : i32
    "tpu.region"() ({
      %run_scoped3A = tpu.sem_alloc : memref<!tpu.dma_semaphore, #tpu.memory_space<semaphore_mem>>
      tpu.enqueue_dma source(%arg2 : memref<512xf32, #tpu.memory_space<hbm>>) target(%arg4 : memref<512xf32, #tpu.memory_space<vmem>>) target_semaphore(%run_scoped3A : memref<!tpu.dma_semaphore, #tpu.memory_space<semaphore_mem>>)
      tpu.wait_dma2 semaphore(%run_scoped3A : memref<!tpu.dma_semaphore, #tpu.memory_space<semaphore_mem>>) src(%arg2 : memref<512xf32, #tpu.memory_space<hbm>>) dst(%arg4 : memref<512xf32, #tpu.memory_space<vmem>>)
      tpu.yield
    }) : () -> ()
    %mul3A_1 = arith.constant 60 : i32
    %mul3A_2 = arith.muli %add3A, %mul3A_1 : i32
    %ge3A = arith.constant 32 : i32
    %ge3A_3 = arith.cmpi sge, %mul3A_2, %ge3A : i32
    %convert_element_type3A = arith.extui %ge3A_3 : i1 to i32
    %add3A_4 = arith.constant 0 : i32
    %add3A_5 = arith.addi %add3A_4, %convert_element_type3A : i32
    %ge3A_6 = arith.constant 160 : i32
    %ge3A_7 = arith.cmpi sge, %mul3A_2, %ge3A_6 : i32
    %convert_element_type3A_8 = arith.extui %ge3A_7 : i1 to i32
    %add3A_9 = arith.addi %add3A_5, %convert_element_type3A_8 : i32
    %ge3A_10 = arith.constant 672 : i32
    %ge3A_11 = arith.cmpi sge, %mul3A_2, %ge3A_10 : i32
    %convert_element_type3A_12 = arith.extui %ge3A_11 : i1 to i32
    %add3A_13 = arith.addi %add3A_9, %convert_element_type3A_12 : i32
    %add3A_14 = arith.constant 60 : i32
    %add3A_15 = arith.addi %mul3A_2, %add3A_14 : i32
    %sub3A = arith.constant 1 : i32
    %sub3A_16 = arith.subi %add3A_15, %sub3A : i32
    %ge3A_17 = arith.constant 32 : i32
    %ge3A_18 = arith.cmpi sge, %sub3A_16, %ge3A_17 : i32
    %convert_element_type3A_19 = arith.extui %ge3A_18 : i1 to i32
    %add3A_20 = arith.constant 0 : i32
    %add3A_21 = arith.addi %add3A_20, %convert_element_type3A_19 : i32
    %ge3A_22 = arith.constant 160 : i32
    %ge3A_23 = arith.cmpi sge, %sub3A_16, %ge3A_22 : i32
    %convert_element_type3A_24 = arith.extui %ge3A_23 : i1 to i32
    %add3A_25 = arith.addi %add3A_21, %convert_element_type3A_24 : i32
    %ge3A_26 = arith.constant 672 : i32
    %ge3A_27 = arith.cmpi sge, %sub3A_16, %ge3A_26 : i32
    %convert_element_type3A_28 = arith.extui %ge3A_27 : i1 to i32
    %add3A_29 = arith.addi %add3A_25, %convert_element_type3A_28 : i32
    %sub3A_30 = arith.constant 32 : i32
    %sub3A_31 = arith.subi %sub3A_30, %mul3A_2 : i32
    %gt3A = arith.constant 0 : i32
    %gt3A_32 = arith.cmpi sgt, %sub3A_31, %gt3A : i32
    %lt3A = arith.constant 60 : i32
    %lt3A_33 = arith.cmpi slt, %sub3A_31, %lt3A : i32
    %and3A = arith.andi %gt3A_32, %lt3A_33 : i1
    %min3A = arith.constant 60 : i32
    %min3A_34 = arith.minsi %min3A, %sub3A_31 : i32
    %jit3A = arith.constant 60 : i32
    %select_n3A = arith.select %and3A, %min3A_34, %jit3A : i32
    %sub3A_35 = arith.constant 160 : i32
    %sub3A_36 = arith.subi %sub3A_35, %mul3A_2 : i32
    %gt3A_37 = arith.constant 0 : i32
    %gt3A_38 = arith.cmpi sgt, %sub3A_36, %gt3A_37 : i32
    %lt3A_39 = arith.constant 60 : i32
    %lt3A_40 = arith.cmpi slt, %sub3A_36, %lt3A_39 : i32
    %and3A_41 = arith.andi %gt3A_38, %lt3A_40 : i1
    %min3A_42 = arith.minsi %select_n3A, %sub3A_36 : i32
    %select_n3A_43 = arith.select %and3A_41, %min3A_42, %select_n3A : i32
    %sub3A_44 = arith.constant 672 : i32
    %sub3A_45 = arith.subi %sub3A_44, %mul3A_2 : i32
    %gt3A_46 = arith.constant 0 : i32
    %gt3A_47 = arith.cmpi sgt, %sub3A_45, %gt3A_46 : i32
    %lt3A_48 = arith.constant 60 : i32
    %lt3A_49 = arith.cmpi slt, %sub3A_45, %lt3A_48 : i32
    %and3A_50 = arith.andi %gt3A_47, %lt3A_49 : i1
    %min3A_51 = arith.minsi %select_n3A_43, %sub3A_45 : i32
    %select_n3A_52 = arith.select %and3A_50, %min3A_51, %select_n3A_43 : i32
    %mul3A_53 = arith.constant 128 : i32
    %mul3A_54 = arith.muli %add3A_13, %mul3A_53 : i32
    %add3A_55 = arith.constant 0 : i32
    %add3A_56 = arith.addi %mul3A_54, %add3A_55 : i32
    %get3A = arith.index_cast %add3A_56 : i32 to index
    %get3A_57 = tpu.vector_load %arg4[%get3A] {strides = array<i32>} : memref<512xf32, #tpu.memory_space<vmem>>, vector<16xf32>,
    %get3A_58 = vector.shape_cast %get3A_57 : vector<16xf32> to vector<16xf32>
    %mul3A_59 = arith.constant 128 : i32
    %mul3A_60 = arith.muli %add3A_13, %mul3A_59 : i32
    %add3A_61 = arith.constant 16 : i32
    %add3A_62 = arith.addi %mul3A_60, %add3A_61 : i32
    %get3A_63 = arith.index_cast %add3A_62 : i32 to index
    %get3A_64 = tpu.vector_load %arg4[%get3A_63] {strides = array<i32>} : memref<512xf32, #tpu.memory_space<vmem>>, vector<16xf32>,
    %get3A_65 = vector.shape_cast %get3A_64 : vector<16xf32> to vector<16xf32>
    %mul3A_66 = arith.constant 128 : i32
    %mul3A_67 = arith.muli %add3A_13, %mul3A_66 : i32
    %add3A_68 = arith.constant 32 : i32
    %add3A_69 = arith.addi %mul3A_67, %add3A_68 : i32
    %get3A_70 = arith.index_cast %add3A_69 : i32 to index
    %get3A_71 = tpu.vector_load %arg4[%get3A_70] {strides = array<i32>} : memref<512xf32, #tpu.memory_space<vmem>>, vector<16xf32>,
    %get3A_72 = vector.shape_cast %get3A_71 : vector<16xf32> to vector<16xf32>
    %mul3A_73 = arith.constant 128 : i32
    %mul3A_74 = arith.muli %add3A_13, %mul3A_73 : i32
    %add3A_75 = arith.constant 48 : i32
    %add3A_76 = arith.addi %mul3A_74, %add3A_75 : i32
    %get3A_77 = arith.index_cast %add3A_76 : i32 to index
    %get3A_78 = tpu.vector_load %arg4[%get3A_77] {strides = array<i32>} : memref<512xf32, #tpu.memory_space<vmem>>, vector<16xf32>,
    %get3A_79 = vector.shape_cast %get3A_78 : vector<16xf32> to vector<16xf32>
    %mul3A_80 = arith.constant 128 : i32
    %mul3A_81 = arith.muli %add3A_13, %mul3A_80 : i32
    %add3A_82 = arith.constant 64 : i32
    %add3A_83 = arith.addi %mul3A_81, %add3A_82 : i32
    %get3A_84 = arith.index_cast %add3A_83 : i32 to index
    %get3A_85 = tpu.vector_load %arg4[%get3A_84] {strides = array<i32>} : memref<512xf32, #tpu.memory_space<vmem>>, vector<16xf32>,
    %get3A_86 = vector.shape_cast %get3A_85 : vector<16xf32> to vector<16xf32>
    %mul3A_87 = arith.constant 128 : i32
    %mul3A_88 = arith.muli %add3A_13, %mul3A_87 : i32
    %add3A_89 = arith.constant 80 : i32
    %add3A_90 = arith.addi %mul3A_88, %add3A_89 : i32
    %get3A_91 = arith.index_cast %add3A_90 : i32 to index
    %get3A_92 = tpu.vector_load %arg4[%get3A_91] {strides = array<i32>} : memref<512xf32, #tpu.memory_space<vmem>>, vector<16xf32>,
    %get3A_93 = vector.shape_cast %get3A_92 : vector<16xf32> to vector<16xf32>
    %mul3A_94 = arith.constant 128 : i32
    %mul3A_95 = arith.muli %add3A_13, %mul3A_94 : i32
    %add3A_96 = arith.constant 96 : i32
    %add3A_97 = arith.addi %mul3A_95, %add3A_96 : i32
    %get3A_98 = arith.index_cast %add3A_97 : i32 to index
    %get3A_99 = tpu.vector_load %arg4[%get3A_98] {strides = array<i32>} : memref<512xf32, #tpu.memory_space<vmem>>, vector<16xf32>,
    %get3A_100 = vector.shape_cast %get3A_99 : vector<16xf32> to vector<16xf32>
    %mul3A_101 = arith.constant 128 : i32
    %mul3A_102 = arith.muli %add3A_13, %mul3A_101 : i32
    %add3A_103 = arith.constant 112 : i32
    %add3A_104 = arith.addi %mul3A_102, %add3A_103 : i32
    %get3A_105 = arith.index_cast %add3A_104 : i32 to index
    %get3A_106 = tpu.vector_load %arg4[%get3A_105] {strides = array<i32>} : memref<512xf32, #tpu.memory_space<vmem>>, vector<16xf32>,
    %get3A_107 = vector.shape_cast %get3A_106 : vector<16xf32> to vector<16xf32>
    %scan3A = arith.constant 0 : i32
    %scan3A_108 = arith.constant 0 : i32
    %scan3A_109 = arith.constant 32 : i32
    %scan3A_110 = arith.addi %scan3A_108, %scan3A_109 : i32
    %scan3A_111 = arith.constant 1 : i32
    scf.for %scan3A_200 = %scan3A_108 to %scan3A_110 step %scan3A_111  : i32 {
      %mul3A_201 = arith.constant 4 : i32
      %mul3A_202 = arith.muli %mul3A_201, %scan3A_200 : i32
      %add3A_203 = arith.constant 0 : i32
      %add3A_204 = arith.addi %mul3A_202, %add3A_203 : i32
      %mul3A_205 = arith.constant 128 : i32
      %mul3A_206 = arith.muli %add3A_204, %mul3A_205 : i32
      %add3A_207 = arith.constant 0 : i32
      %add3A_208 = arith.addi %mul3A_206, %add3A_207 : i32
      %swap3A = arith.index_cast %add3A_208 : i32 to index
      %swap3A_209 = tpu.vector_load %arg5[%swap3A] {strides = array<i32>} : memref<16384xf32, #tpu.memory_space<vmem>>, vector<16xf32>,
      %swap3A_210 = vector.shape_cast %swap3A_209 : vector<16xf32> to vector<16xf32>
      %swap3A_211 = vector.shape_cast %get3A_58 : vector<16xf32> to vector<16xf32>
      tpu.vector_store %arg5[%swap3A], %swap3A_211 {strides = array<i32>} : memref<16384xf32, #tpu.memory_space<vmem>>, vector<16xf32>,
      %add3A_212 = arith.constant 16 : i32
      %add3A_213 = arith.addi %mul3A_206, %add3A_212 : i32
      %swap3A_214 = arith.index_cast %add3A_213 : i32 to index
      %swap3A_215 = tpu.vector_load %arg5[%swap3A_214] {strides = array<i32>} : memref<16384xf32, #tpu.memory_space<vmem>>, vector<16xf32>,
      %swap3A_216 = vector.shape_cast %swap3A_215 : vector<16xf32> to vector<16xf32>
      %swap3A_217 = vector.shape_cast %get3A_65 : vector<16xf32> to vector<16xf32>
      tpu.vector_store %arg5[%swap3A_214], %swap3A_217 {strides = array<i32>} : memref<16384xf32, #tpu.memory_space<vmem>>, vector<16xf32>,
      %add3A_218 = arith.constant 32 : i32
      %add3A_219 = arith.addi %mul3A_206, %add3A_218 : i32
      %swap3A_220 = arith.index_cast %add3A_219 : i32 to index
      %swap3A_221 = tpu.vector_load %arg5[%swap3A_220] {strides = array<i32>} : memref<16384xf32, #tpu.memory_space<vmem>>, vector<16xf32>,
      %swap3A_222 = vector.shape_cast %swap3A_221 : vector<16xf32> to vector<16xf32>
      %swap3A_223 = vector.shape_cast %get3A_72 : vector<16xf32> to vector<16xf32>
      tpu.vector_store %arg5[%swap3A_220], %swap3A_223 {strides = array<i32>} : memref<16384xf32, #tpu.memory_space<vmem>>, vector<16xf32>,
      %add3A_224 = arith.constant 48 : i32
      %add3A_225 = arith.addi %mul3A_206, %add3A_224 : i32
      %swap3A_226 = arith.index_cast %add3A_225 : i32 to index
      %swap3A_227 = tpu.vector_load %arg5[%swap3A_226] {strides = array<i32>} : memref<16384xf32, #tpu.memory_space<vmem>>, vector<16xf32>,
      %swap3A_228 = vector.shape_cast %swap3A_227 : vector<16xf32> to vector<16xf32>
      %swap3A_229 = vector.shape_cast %get3A_79 : vector<16xf32> to vector<16xf32>
      tpu.vector_store %arg5[%swap3A_226], %swap3A_229 {strides = array<i32>} : memref<16384xf32, #tpu.memory_space<vmem>>, vector<16xf32>,
      %add3A_230 = arith.constant 64 : i32
      %add3A_231 = arith.addi %mul3A_206, %add3A_230 : i32
      %swap3A_232 = arith.index_cast %add3A_231 : i32 to index
      %swap3A_233 = tpu.vector_load %arg5[%swap3A_232] {strides = array<i32>} : memref<16384xf32, #tpu.memory_space<vmem>>, vector<16xf32>,
      %swap3A_234 = vector.shape_cast %swap3A_233 : vector<16xf32> to vector<16xf32>
      %swap3A_235 = vector.shape_cast %get3A_86 : vector<16xf32> to vector<16xf32>
      tpu.vector_store %arg5[%swap3A_232], %swap3A_235 {strides = array<i32>} : memref<16384xf32, #tpu.memory_space<vmem>>, vector<16xf32>,
      %add3A_236 = arith.constant 80 : i32
      %add3A_237 = arith.addi %mul3A_206, %add3A_236 : i32
      %swap3A_238 = arith.index_cast %add3A_237 : i32 to index
      %swap3A_239 = tpu.vector_load %arg5[%swap3A_238] {strides = array<i32>} : memref<16384xf32, #tpu.memory_space<vmem>>, vector<16xf32>,
      %swap3A_240 = vector.shape_cast %swap3A_239 : vector<16xf32> to vector<16xf32>
      %swap3A_241 = vector.shape_cast %get3A_93 : vector<16xf32> to vector<16xf32>
      tpu.vector_store %arg5[%swap3A_238], %swap3A_241 {strides = array<i32>} : memref<16384xf32, #tpu.memory_space<vmem>>, vector<16xf32>,
      %add3A_242 = arith.constant 96 : i32
      %add3A_243 = arith.addi %mul3A_206, %add3A_242 : i32
      %swap3A_244 = arith.index_cast %add3A_243 : i32 to index
      %swap3A_245 = tpu.vector_load %arg5[%swap3A_244] {strides = array<i32>} : memref<16384xf32, #tpu.memory_space<vmem>>, vector<16xf32>,
      %swap3A_246 = vector.shape_cast %swap3A_245 : vector<16xf32> to vector<16xf32>
      %swap3A_247 = vector.shape_cast %get3A_100 : vector<16xf32> to vector<16xf32>
      tpu.vector_store %arg5[%swap3A_244], %swap3A_247 {strides = array<i32>} : memref<16384xf32, #tpu.memory_space<vmem>>, vector<16xf32>,
      %add3A_248 = arith.constant 112 : i32
      %add3A_249 = arith.addi %mul3A_206, %add3A_248 : i32
      %swap3A_250 = arith.index_cast %add3A_249 : i32 to index
      %swap3A_251 = tpu.vector_load %arg5[%swap3A_250] {strides = array<i32>} : memref<16384xf32, #tpu.memory_space<vmem>>, vector<16xf32>,
      %swap3A_252 = vector.shape_cast %swap3A_251 : vector<16xf32> to vector<16xf32>
      %swap3A_253 = vector.shape_cast %get3A_107 : vector<16xf32> to vector<16xf32>
      tpu.vector_store %arg5[%swap3A_250], %swap3A_253 {strides = array<i32>} : memref<16384xf32, #tpu.memory_space<vmem>>, vector<16xf32>,
      %mul3A_254 = arith.constant 4 : i32
      %mul3A_255 = arith.muli %mul3A_254, %scan3A_200 : i32
      %add3A_256 = arith.constant 1 : i32
      %add3A_257 = arith.addi %mul3A_255, %add3A_256 : i32
      %mul3A_258 = arith.constant 128 : i32
      %mul3A_259 = arith.muli %add3A_257, %mul3A_258 : i32
      %add3A_260 = arith.constant 0 : i32
      %add3A_261 = arith.addi %mul3A_259, %add3A_260 : i32
      %swap3A_262 = arith.index_cast %add3A_261 : i32 to index
      %swap3A_263 = tpu.vector_load %arg5[%swap3A_262] {strides = array<i32>} : memref<16384xf32, #tpu.memory_space<vmem>>, vector<16xf32>,
      %swap3A_264 = vector.shape_cast %swap3A_263 : vector<16xf32> to vector<16xf32>
      %swap3A_265 = vector.shape_cast %get3A_58 : vector<16xf32> to vector<16xf32>
      tpu.vector_store %arg5[%swap3A_262], %swap3A_265 {strides = array<i32>} : memref<16384xf32, #tpu.memory_space<vmem>>, vector<16xf32>,
      %add3A_266 = arith.constant 16 : i32
      %add3A_267 = arith.addi %mul3A_259, %add3A_266 : i32
      %swap3A_268 = arith.index_cast %add3A_267 : i32 to index
      %swap3A_269 = tpu.vector_load %arg5[%swap3A_268] {strides = array<i32>} : memref<16384xf32, #tpu.memory_space<vmem>>, vector<16xf32>,
      %swap3A_270 = vector.shape_cast %swap3A_269 : vector<16xf32> to vector<16xf32>
      %swap3A_271 = vector.shape_cast %get3A_65 : vector<16xf32> to vector<16xf32>
      tpu.vector_store %arg5[%swap3A_268], %swap3A_271 {strides = array<i32>} : memref<16384xf32, #tpu.memory_space<vmem>>, vector<16xf32>,
      %add3A_272 = arith.constant 32 : i32
      %add3A_273 = arith.addi %mul3A_259, %add3A_272 : i32
      %swap3A_274 = arith.index_cast %add3A_273 : i32 to index
      %swap3A_275 = tpu.vector_load %arg5[%swap3A_274] {strides = array<i32>} : memref<16384xf32, #tpu.memory_space<vmem>>, vector<16xf32>,
      %swap3A_276 = vector.shape_cast %swap3A_275 : vector<16xf32> to vector<16xf32>
      %swap3A_277 = vector.shape_cast %get3A_72 : vector<16xf32> to vector<16xf32>
      tpu.vector_store %arg5[%swap3A_274], %swap3A_277 {strides = array<i32>} : memref<16384xf32, #tpu.memory_space<vmem>>, vector<16xf32>,
      %add3A_278 = arith.constant 48 : i32
      %add3A_279 = arith.addi %mul3A_259, %add3A_278 : i32
      %swap3A_280 = arith.index_cast %add3A_279 : i32 to index
      %swap3A_281 = tpu.vector_load %arg5[%swap3A_280] {strides = array<i32>} : memref<16384xf32, #tpu.memory_space<vmem>>, vector<16xf32>,
      %swap3A_282 = vector.shape_cast %swap3A_281 : vector<16xf32> to vector<16xf32>
      %swap3A_283 = vector.shape_cast %get3A_79 : vector<16xf32> to vector<16xf32>
      tpu.vector_store %arg5[%swap3A_280], %swap3A_283 {strides = array<i32>} : memref<16384xf32, #tpu.memory_space<vmem>>, vector<16xf32>,
      %add3A_284 = arith.constant 64 : i32
      %add3A_285 = arith.addi %mul3A_259, %add3A_284 : i32
      %swap3A_286 = arith.index_cast %add3A_285 : i32 to index
      %swap3A_287 = tpu.vector_load %arg5[%swap3A_286] {strides = array<i32>} : memref<16384xf32, #tpu.memory_space<vmem>>, vector<16xf32>,
      %swap3A_288 = vector.shape_cast %swap3A_287 : vector<16xf32> to vector<16xf32>
      %swap3A_289 = vector.shape_cast %get3A_86 : vector<16xf32> to vector<16xf32>
      tpu.vector_store %arg5[%swap3A_286], %swap3A_289 {strides = array<i32>} : memref<16384xf32, #tpu.memory_space<vmem>>, vector<16xf32>,
      %add3A_290 = arith.constant 80 : i32
      %add3A_291 = arith.addi %mul3A_259, %add3A_290 : i32
      %swap3A_292 = arith.index_cast %add3A_291 : i32 to index
      %swap3A_293 = tpu.vector_load %arg5[%swap3A_292] {strides = array<i32>} : memref<16384xf32, #tpu.memory_space<vmem>>, vector<16xf32>,
      %swap3A_294 = vector.shape_cast %swap3A_293 : vector<16xf32> to vector<16xf32>
      %swap3A_295 = vector.shape_cast %get3A_93 : vector<16xf32> to vector<16xf32>
      tpu.vector_store %arg5[%swap3A_292], %swap3A_295 {strides = array<i32>} : memref<16384xf32, #tpu.memory_space<vmem>>, vector<16xf32>,
      %add3A_296 = arith.constant 96 : i32
      %add3A_297 = arith.addi %mul3A_259, %add3A_296 : i32
      %swap3A_298 = arith.index_cast %add3A_297 : i32 to index
      %swap3A_299 = tpu.vector_load %arg5[%swap3A_298] {strides = array<i32>} : memref<16384xf32, #tpu.memory_space<vmem>>, vector<16xf32>,
      %swap3A_300 = vector.shape_cast %swap3A_299 : vector<16xf32> to vector<16xf32>
      %swap3A_301 = vector.shape_cast %get3A_100 : vector<16xf32> to vector<16xf32>
      tpu.vector_store %arg5[%swap3A_298], %swap3A_301 {strides = array<i32>} : memref<16384xf32, #tpu.memory_space<vmem>>, vector<16xf32>,
      %add3A_302 = arith.constant 112 : i32
      %add3A_303 = arith.addi %mul3A_259, %add3A_302 : i32
      %swap3A_304 = arith.index_cast %add3A_303 : i32 to index
      %swap3A_305 = tpu.vector_load %arg5[%swap3A_304] {strides = array<i32>} : memref<16384xf32, #tpu.memory_space<vmem>>, vector<16xf32>,
      %swap3A_306 = vector.shape_cast %swap3A_305 : vector<16xf32> to vector<16xf32>
      %swap3A_307 = vector.shape_cast %get3A_107 : vector<16xf32> to vector<16xf32>
      tpu.vector_store %arg5[%swap3A_304], %swap3A_307 {strides = array<i32>} : memref<16384xf32, #tpu.memory_space<vmem>>, vector<16xf32>,
      %mul3A_308 = arith.constant 4 : i32
      %mul3A_309 = arith.muli %mul3A_308, %scan3A_200 : i32
      %add3A_310 = arith.constant 2 : i32
      %add3A_311 = arith.addi %mul3A_309, %add3A_310 : i32
      %mul3A_312 = arith.constant 128 : i32
      %mul3A_313 = arith.muli %add3A_311, %mul3A_312 : i32
      %add3A_314 = arith.constant 0 : i32
      %add3A_315 = arith.addi %mul3A_313, %add3A_314 : i32
      %swap3A_316 = arith.index_cast %add3A_315 : i32 to index
      %swap3A_317 = tpu.vector_load %arg5[%swap3A_316] {strides = array<i32>} : memref<16384xf32, #tpu.memory_space<vmem>>, vector<16xf32>,
      %swap3A_318 = vector.shape_cast %swap3A_317 : vector<16xf32> to vector<16xf32>
      %swap3A_319 = vector.shape_cast %get3A_58 : vector<16xf32> to vector<16xf32>
      tpu.vector_store %arg5[%swap3A_316], %swap3A_319 {strides = array<i32>} : memref<16384xf32, #tpu.memory_space<vmem>>, vector<16xf32>,
      %add3A_320 = arith.constant 16 : i32
      %add3A_321 = arith.addi %mul3A_313, %add3A_320 : i32
      %swap3A_322 = arith.index_cast %add3A_321 : i32 to index
      %swap3A_323 = tpu.vector_load %arg5[%swap3A_322] {strides = array<i32>} : memref<16384xf32, #tpu.memory_space<vmem>>, vector<16xf32>,
      %swap3A_324 = vector.shape_cast %swap3A_323 : vector<16xf32> to vector<16xf32>
      %swap3A_325 = vector.shape_cast %get3A_65 : vector<16xf32> to vector<16xf32>
      tpu.vector_store %arg5[%swap3A_322], %swap3A_325 {strides = array<i32>} : memref<16384xf32, #tpu.memory_space<vmem>>, vector<16xf32>,
      %add3A_326 = arith.constant 32 : i32
      %add3A_327 = arith.addi %mul3A_313, %add3A_326 : i32
      %swap3A_328 = arith.index_cast %add3A_327 : i32 to index
      %swap3A_329 = tpu.vector_load %arg5[%swap3A_328] {strides = array<i32>} : memref<16384xf32, #tpu.memory_space<vmem>>, vector<16xf32>,
      %swap3A_330 = vector.shape_cast %swap3A_329 : vector<16xf32> to vector<16xf32>
      %swap3A_331 = vector.shape_cast %get3A_72 : vector<16xf32> to vector<16xf32>
      tpu.vector_store %arg5[%swap3A_328], %swap3A_331 {strides = array<i32>} : memref<16384xf32, #tpu.memory_space<vmem>>, vector<16xf32>,
      %add3A_332 = arith.constant 48 : i32
      %add3A_333 = arith.addi %mul3A_313, %add3A_332 : i32
      %swap3A_334 = arith.index_cast %add3A_333 : i32 to index
      %swap3A_335 = tpu.vector_load %arg5[%swap3A_334] {strides = array<i32>} : memref<16384xf32, #tpu.memory_space<vmem>>, vector<16xf32>,
      %swap3A_336 = vector.shape_cast %swap3A_335 : vector<16xf32> to vector<16xf32>
      %swap3A_337 = vector.shape_cast %get3A_79 : vector<16xf32> to vector<16xf32>
      tpu.vector_store %arg5[%swap3A_334], %swap3A_337 {strides = array<i32>} : memref<16384xf32, #tpu.memory_space<vmem>>, vector<16xf32>,
      %add3A_338 = arith.constant 64 : i32
      %add3A_339 = arith.addi %mul3A_313, %add3A_338 : i32
      %swap3A_340 = arith.index_cast %add3A_339 : i32 to index
      %swap3A_341 = tpu.vector_load %arg5[%swap3A_340] {strides = array<i32>} : memref<16384xf32, #tpu.memory_space<vmem>>, vector<16xf32>,
      %swap3A_342 = vector.shape_cast %swap3A_341 : vector<16xf32> to vector<16xf32>
      %swap3A_343 = vector.shape_cast %get3A_86 : vector<16xf32> to vector<16xf32>
      tpu.vector_store %arg5[%swap3A_340], %swap3A_343 {strides = array<i32>} : memref<16384xf32, #tpu.memory_space<vmem>>, vector<16xf32>,
      %add3A_344 = arith.constant 80 : i32
      %add3A_345 = arith.addi %mul3A_313, %add3A_344 : i32
      %swap3A_346 = arith.index_cast %add3A_345 : i32 to index
      %swap3A_347 = tpu.vector_load %arg5[%swap3A_346] {strides = array<i32>} : memref<16384xf32, #tpu.memory_space<vmem>>, vector<16xf32>,
      %swap3A_348 = vector.shape_cast %swap3A_347 : vector<16xf32> to vector<16xf32>
      %swap3A_349 = vector.shape_cast %get3A_93 : vector<16xf32> to vector<16xf32>
      tpu.vector_store %arg5[%swap3A_346], %swap3A_349 {strides = array<i32>} : memref<16384xf32, #tpu.memory_space<vmem>>, vector<16xf32>,
      %add3A_350 = arith.constant 96 : i32
      %add3A_351 = arith.addi %mul3A_313, %add3A_350 : i32
      %swap3A_352 = arith.index_cast %add3A_351 : i32 to index
      %swap3A_353 = tpu.vector_load %arg5[%swap3A_352] {strides = array<i32>} : memref<16384xf32, #tpu.memory_space<vmem>>, vector<16xf32>,
      %swap3A_354 = vector.shape_cast %swap3A_353 : vector<16xf32> to vector<16xf32>
      %swap3A_355 = vector.shape_cast %get3A_100 : vector<16xf32> to vector<16xf32>
      tpu.vector_store %arg5[%swap3A_352], %swap3A_355 {strides = array<i32>} : memref<16384xf32, #tpu.memory_space<vmem>>, vector<16xf32>,
      %add3A_356 = arith.constant 112 : i32
      %add3A_357 = arith.addi %mul3A_313, %add3A_356 : i32
      %swap3A_358 = arith.index_cast %add3A_357 : i32 to index
      %swap3A_359 = tpu.vector_load %arg5[%swap3A_358] {strides = array<i32>} : memref<16384xf32, #tpu.memory_space<vmem>>, vector<16xf32>,
      %swap3A_360 = vector.shape_cast %swap3A_359 : vector<16xf32> to vector<16xf32>
      %swap3A_361 = vector.shape_cast %get3A_107 : vector<16xf32> to vector<16xf32>
      tpu.vector_store %arg5[%swap3A_358], %swap3A_361 {strides = array<i32>} : memref<16384xf32, #tpu.memory_space<vmem>>, vector<16xf32>,
      %mul3A_362 = arith.constant 4 : i32
      %mul3A_363 = arith.muli %mul3A_362, %scan3A_200 : i32
      %add3A_364 = arith.constant 3 : i32
      %add3A_365 = arith.addi %mul3A_363, %add3A_364 : i32
      %mul3A_366 = arith.constant 128 : i32
      %mul3A_367 = arith.muli %add3A_365, %mul3A_366 : i32
      %add3A_368 = arith.constant 0 : i32
      %add3A_369 = arith.addi %mul3A_367, %add3A_368 : i32
      %swap3A_370 = arith.index_cast %add3A_369 : i32 to index
      %swap3A_371 = tpu.vector_load %arg5[%swap3A_370] {strides = array<i32>} : memref<16384xf32, #tpu.memory_space<vmem>>, vector<16xf32>,
      %swap3A_372 = vector.shape_cast %swap3A_371 : vector<16xf32> to vector<16xf32>
      %swap3A_373 = vector.shape_cast %get3A_58 : vector<16xf32> to vector<16xf32>
      tpu.vector_store %arg5[%swap3A_370], %swap3A_373 {strides = array<i32>} : memref<16384xf32, #tpu.memory_space<vmem>>, vector<16xf32>,
      %add3A_374 = arith.constant 16 : i32
      %add3A_375 = arith.addi %mul3A_367, %add3A_374 : i32
      %swap3A_376 = arith.index_cast %add3A_375 : i32 to index
      %swap3A_377 = tpu.vector_load %arg5[%swap3A_376] {strides = array<i32>} : memref<16384xf32, #tpu.memory_space<vmem>>, vector<16xf32>,
      %swap3A_378 = vector.shape_cast %swap3A_377 : vector<16xf32> to vector<16xf32>
      %swap3A_379 = vector.shape_cast %get3A_65 : vector<16xf32> to vector<16xf32>
      tpu.vector_store %arg5[%swap3A_376], %swap3A_379 {strides = array<i32>} : memref<16384xf32, #tpu.memory_space<vmem>>, vector<16xf32>,
      %add3A_380 = arith.constant 32 : i32
      %add3A_381 = arith.addi %mul3A_367, %add3A_380 : i32
      %swap3A_382 = arith.index_cast %add3A_381 : i32 to index
      %swap3A_383 = tpu.vector_load %arg5[%swap3A_382] {strides = array<i32>} : memref<16384xf32, #tpu.memory_space<vmem>>, vector<16xf32>,
      %swap3A_384 = vector.shape_cast %swap3A_383 : vector<16xf32> to vector<16xf32>
      %swap3A_385 = vector.shape_cast %get3A_72 : vector<16xf32> to vector<16xf32>
      tpu.vector_store %arg5[%swap3A_382], %swap3A_385 {strides = array<i32>} : memref<16384xf32, #tpu.memory_space<vmem>>, vector<16xf32>,
      %add3A_386 = arith.constant 48 : i32
      %add3A_387 = arith.addi %mul3A_367, %add3A_386 : i32
      %swap3A_388 = arith.index_cast %add3A_387 : i32 to index
      %swap3A_389 = tpu.vector_load %arg5[%swap3A_388] {strides = array<i32>} : memref<16384xf32, #tpu.memory_space<vmem>>, vector<16xf32>,
      %swap3A_390 = vector.shape_cast %swap3A_389 : vector<16xf32> to vector<16xf32>
      %swap3A_391 = vector.shape_cast %get3A_79 : vector<16xf32> to vector<16xf32>
      tpu.vector_store %arg5[%swap3A_388], %swap3A_391 {strides = array<i32>} : memref<16384xf32, #tpu.memory_space<vmem>>, vector<16xf32>,
      %add3A_392 = arith.constant 64 : i32
      %add3A_393 = arith.addi %mul3A_367, %add3A_392 : i32
      %swap3A_394 = arith.index_cast %add3A_393 : i32 to index
      %swap3A_395 = tpu.vector_load %arg5[%swap3A_394] {strides = array<i32>} : memref<16384xf32, #tpu.memory_space<vmem>>, vector<16xf32>,
      %swap3A_396 = vector.shape_cast %swap3A_395 : vector<16xf32> to vector<16xf32>
      %swap3A_397 = vector.shape_cast %get3A_86 : vector<16xf32> to vector<16xf32>
      tpu.vector_store %arg5[%swap3A_394], %swap3A_397 {strides = array<i32>} : memref<16384xf32, #tpu.memory_space<vmem>>, vector<16xf32>,
      %add3A_398 = arith.constant 80 : i32
      %add3A_399 = arith.addi %mul3A_367, %add3A_398 : i32
      %swap3A_400 = arith.index_cast %add3A_399 : i32 to index
      %swap3A_401 = tpu.vector_load %arg5[%swap3A_400] {strides = array<i32>} : memref<16384xf32, #tpu.memory_space<vmem>>, vector<16xf32>,
      %swap3A_402 = vector.shape_cast %swap3A_401 : vector<16xf32> to vector<16xf32>
      %swap3A_403 = vector.shape_cast %get3A_93 : vector<16xf32> to vector<16xf32>
      tpu.vector_store %arg5[%swap3A_400], %swap3A_403 {strides = array<i32>} : memref<16384xf32, #tpu.memory_space<vmem>>, vector<16xf32>,
      %add3A_404 = arith.constant 96 : i32
      %add3A_405 = arith.addi %mul3A_367, %add3A_404 : i32
      %swap3A_406 = arith.index_cast %add3A_405 : i32 to index
      %swap3A_407 = tpu.vector_load %arg5[%swap3A_406] {strides = array<i32>} : memref<16384xf32, #tpu.memory_space<vmem>>, vector<16xf32>,
      %swap3A_408 = vector.shape_cast %swap3A_407 : vector<16xf32> to vector<16xf32>
      %swap3A_409 = vector.shape_cast %get3A_100 : vector<16xf32> to vector<16xf32>
      tpu.vector_store %arg5[%swap3A_406], %swap3A_409 {strides = array<i32>} : memref<16384xf32, #tpu.memory_space<vmem>>, vector<16xf32>,
      %add3A_410 = arith.constant 112 : i32
      %add3A_411 = arith.addi %mul3A_367, %add3A_410 : i32
      %swap3A_412 = arith.index_cast %add3A_411 : i32 to index
      %swap3A_413 = tpu.vector_load %arg5[%swap3A_412] {strides = array<i32>} : memref<16384xf32, #tpu.memory_space<vmem>>, vector<16xf32>,
      %swap3A_414 = vector.shape_cast %swap3A_413 : vector<16xf32> to vector<16xf32>
      %swap3A_415 = vector.shape_cast %get3A_107 : vector<16xf32> to vector<16xf32>
      tpu.vector_store %arg5[%swap3A_412], %swap3A_415 {strides = array<i32>} : memref<16384xf32, #tpu.memory_space<vmem>>, vector<16xf32>,
    }
    %scan3A_112 = arith.constant 32 : i32
    %while3A = arith.constant 0 : i32
    %while3A_113 = arith.constant 0 : i32
    %while3A_114 = arith.subi %select_n3A_52, %while3A_113 : i32
    %while3A_115 = arith.addi %while3A_113, %while3A_114 : i32
    %while3A_116 = arith.constant 1 : i32
    %while3A_117 = arith.divsi %while3A_114, %while3A_116 : i32
    %while3A_118 = arith.muli %while3A_117, %while3A_116 : i32
    %while3A_119 = arith.addi %while3A_113, %while3A_118 : i32
    %while3A_120 = arith.constant 1 : i32
    scf.for %while3A_200 = %while3A_113 to %while3A_119 step %while3A_120  : i32 {
      %add3A_201 = arith.addi %mul3A_2, %while3A_200 : i32
      %mul3A_202 = arith.constant 16384 : i32
      %mul3A_203 = arith.muli %add3A_201, %mul3A_202 : i32
      %dma_start3A = tpu.memref_slice %arg3[%mul3A_203] : memref<44564480xf32, #tpu.memory_space<hbm>> -> memref<16384xf32, #tpu.memory_space<hbm>>
      %dma_start3A_204 = tpu.memref_slice %arg3[%mul3A_203] : memref<44564480xf32, #tpu.memory_space<hbm>> -> memref<16384xf32, #tpu.memory_space<hbm>>
      tpu.enqueue_dma source(%arg5 : memref<16384xf32, #tpu.memory_space<vmem>>) target(%dma_start3A_204 : memref<16384xf32, #tpu.memory_space<hbm>>) target_semaphore(%arg7 : memref<!tpu.dma_semaphore, #tpu.memory_space<semaphore_mem>>)
    }
    %while3A_121 = arith.constant 1 : i32
    scf.for %while3A_200 = %while3A_119 to %while3A_115 step %while3A_121  : i32 {
      %add3A_201 = arith.addi %mul3A_2, %while3A_200 : i32
      %mul3A_202 = arith.constant 16384 : i32
      %mul3A_203 = arith.muli %add3A_201, %mul3A_202 : i32
      %dma_start3A = tpu.memref_slice %arg3[%mul3A_203] : memref<44564480xf32, #tpu.memory_space<hbm>> -> memref<16384xf32, #tpu.memory_space<hbm>>
      %dma_start3A_204 = tpu.memref_slice %arg3[%mul3A_203] : memref<44564480xf32, #tpu.memory_space<hbm>> -> memref<16384xf32, #tpu.memory_space<hbm>>
      tpu.enqueue_dma source(%arg5 : memref<16384xf32, #tpu.memory_space<vmem>>) target(%dma_start3A_204 : memref<16384xf32, #tpu.memory_space<hbm>>) target_semaphore(%arg7 : memref<!tpu.dma_semaphore, #tpu.memory_space<semaphore_mem>>)
    }
    %mul3A_122 = arith.constant 128 : i32
    %mul3A_123 = arith.muli %add3A_29, %mul3A_122 : i32
    %add3A_124 = arith.constant 0 : i32
    %add3A_125 = arith.addi %mul3A_123, %add3A_124 : i32
    %get3A_126 = arith.index_cast %add3A_125 : i32 to index
    %get3A_127 = tpu.vector_load %arg4[%get3A_126] {strides = array<i32>} : memref<512xf32, #tpu.memory_space<vmem>>, vector<16xf32>,
    %get3A_128 = vector.shape_cast %get3A_127 : vector<16xf32> to vector<16xf32>
    %mul3A_129 = arith.constant 128 : i32
    %mul3A_130 = arith.muli %add3A_29, %mul3A_129 : i32
    %add3A_131 = arith.constant 16 : i32
    %add3A_132 = arith.addi %mul3A_130, %add3A_131 : i32
    %get3A_133 = arith.index_cast %add3A_132 : i32 to index
    %get3A_134 = tpu.vector_load %arg4[%get3A_133] {strides = array<i32>} : memref<512xf32, #tpu.memory_space<vmem>>, vector<16xf32>,
    %get3A_135 = vector.shape_cast %get3A_134 : vector<16xf32> to vector<16xf32>
    %mul3A_136 = arith.constant 128 : i32
    %mul3A_137 = arith.muli %add3A_29, %mul3A_136 : i32
    %add3A_138 = arith.constant 32 : i32
    %add3A_139 = arith.addi %mul3A_137, %add3A_138 : i32
    %get3A_140 = arith.index_cast %add3A_139 : i32 to index
    %get3A_141 = tpu.vector_load %arg4[%get3A_140] {strides = array<i32>} : memref<512xf32, #tpu.memory_space<vmem>>, vector<16xf32>,
    %get3A_142 = vector.shape_cast %get3A_141 : vector<16xf32> to vector<16xf32>
    %mul3A_143 = arith.constant 128 : i32
    %mul3A_144 = arith.muli %add3A_29, %mul3A_143 : i32
    %add3A_145 = arith.constant 48 : i32
    %add3A_146 = arith.addi %mul3A_144, %add3A_145 : i32
    %get3A_147 = arith.index_cast %add3A_146 : i32 to index
    %get3A_148 = tpu.vector_load %arg4[%get3A_147] {strides = array<i32>} : memref<512xf32, #tpu.memory_space<vmem>>, vector<16xf32>,
    %get3A_149 = vector.shape_cast %get3A_148 : vector<16xf32> to vector<16xf32>
    %mul3A_150 = arith.constant 128 : i32
    %mul3A_151 = arith.muli %add3A_29, %mul3A_150 : i32
    %add3A_152 = arith.constant 64 : i32
    %add3A_153 = arith.addi %mul3A_151, %add3A_152 : i32
    %get3A_154 = arith.index_cast %add3A_153 : i32 to index
    %get3A_155 = tpu.vector_load %arg4[%get3A_154] {strides = array<i32>} : memref<512xf32, #tpu.memory_space<vmem>>, vector<16xf32>,
    %get3A_156 = vector.shape_cast %get3A_155 : vector<16xf32> to vector<16xf32>
    %mul3A_157 = arith.constant 128 : i32
    %mul3A_158 = arith.muli %add3A_29, %mul3A_157 : i32
    %add3A_159 = arith.constant 80 : i32
    %add3A_160 = arith.addi %mul3A_158, %add3A_159 : i32
    %get3A_161 = arith.index_cast %add3A_160 : i32 to index
    %get3A_162 = tpu.vector_load %arg4[%get3A_161] {strides = array<i32>} : memref<512xf32, #tpu.memory_space<vmem>>, vector<16xf32>,
    %get3A_163 = vector.shape_cast %get3A_162 : vector<16xf32> to vector<16xf32>
    %mul3A_164 = arith.constant 128 : i32
    %mul3A_165 = arith.muli %add3A_29, %mul3A_164 : i32
    %add3A_166 = arith.constant 96 : i32
    %add3A_167 = arith.addi %mul3A_165, %add3A_166 : i32
    %get3A_168 = arith.index_cast %add3A_167 : i32 to index
    %get3A_169 = tpu.vector_load %arg4[%get3A_168] {strides = array<i32>} : memref<512xf32, #tpu.memory_space<vmem>>, vector<16xf32>,
    %get3A_170 = vector.shape_cast %get3A_169 : vector<16xf32> to vector<16xf32>
    %mul3A_171 = arith.constant 128 : i32
    %mul3A_172 = arith.muli %add3A_29, %mul3A_171 : i32
    %add3A_173 = arith.constant 112 : i32
    %add3A_174 = arith.addi %mul3A_172, %add3A_173 : i32
    %get3A_175 = arith.index_cast %add3A_174 : i32 to index
    %get3A_176 = tpu.vector_load %arg4[%get3A_175] {strides = array<i32>} : memref<512xf32, #tpu.memory_space<vmem>>, vector<16xf32>,
    %get3A_177 = vector.shape_cast %get3A_176 : vector<16xf32> to vector<16xf32>
    %scan3A_178 = arith.constant 0 : i32
    %scan3A_179 = arith.constant 0 : i32
    %scan3A_180 = arith.constant 32 : i32
    %scan3A_181 = arith.addi %scan3A_179, %scan3A_180 : i32
    %scan3A_182 = arith.constant 1 : i32
    scf.for %scan3A_200 = %scan3A_179 to %scan3A_181 step %scan3A_182  : i32 {
      %mul3A_201 = arith.constant 4 : i32
      %mul3A_202 = arith.muli %mul3A_201, %scan3A_200 : i32
      %add3A_203 = arith.constant 0 : i32
      %add3A_204 = arith.addi %mul3A_202, %add3A_203 : i32
      %mul3A_205 = arith.constant 128 : i32
      %mul3A_206 = arith.muli %add3A_204, %mul3A_205 : i32
      %add3A_207 = arith.constant 0 : i32
      %add3A_208 = arith.addi %mul3A_206, %add3A_207 : i32
      %swap3A = arith.index_cast %add3A_208 : i32 to index
      %swap3A_209 = tpu.vector_load %arg6[%swap3A] {strides = array<i32>} : memref<16384xf32, #tpu.memory_space<vmem>>, vector<16xf32>,
      %swap3A_210 = vector.shape_cast %swap3A_209 : vector<16xf32> to vector<16xf32>
      %swap3A_211 = vector.shape_cast %get3A_128 : vector<16xf32> to vector<16xf32>
      tpu.vector_store %arg6[%swap3A], %swap3A_211 {strides = array<i32>} : memref<16384xf32, #tpu.memory_space<vmem>>, vector<16xf32>,
      %add3A_212 = arith.constant 16 : i32
      %add3A_213 = arith.addi %mul3A_206, %add3A_212 : i32
      %swap3A_214 = arith.index_cast %add3A_213 : i32 to index
      %swap3A_215 = tpu.vector_load %arg6[%swap3A_214] {strides = array<i32>} : memref<16384xf32, #tpu.memory_space<vmem>>, vector<16xf32>,
      %swap3A_216 = vector.shape_cast %swap3A_215 : vector<16xf32> to vector<16xf32>
      %swap3A_217 = vector.shape_cast %get3A_135 : vector<16xf32> to vector<16xf32>
      tpu.vector_store %arg6[%swap3A_214], %swap3A_217 {strides = array<i32>} : memref<16384xf32, #tpu.memory_space<vmem>>, vector<16xf32>,
      %add3A_218 = arith.constant 32 : i32
      %add3A_219 = arith.addi %mul3A_206, %add3A_218 : i32
      %swap3A_220 = arith.index_cast %add3A_219 : i32 to index
      %swap3A_221 = tpu.vector_load %arg6[%swap3A_220] {strides = array<i32>} : memref<16384xf32, #tpu.memory_space<vmem>>, vector<16xf32>,
      %swap3A_222 = vector.shape_cast %swap3A_221 : vector<16xf32> to vector<16xf32>
      %swap3A_223 = vector.shape_cast %get3A_142 : vector<16xf32> to vector<16xf32>
      tpu.vector_store %arg6[%swap3A_220], %swap3A_223 {strides = array<i32>} : memref<16384xf32, #tpu.memory_space<vmem>>, vector<16xf32>,
      %add3A_224 = arith.constant 48 : i32
      %add3A_225 = arith.addi %mul3A_206, %add3A_224 : i32
      %swap3A_226 = arith.index_cast %add3A_225 : i32 to index
      %swap3A_227 = tpu.vector_load %arg6[%swap3A_226] {strides = array<i32>} : memref<16384xf32, #tpu.memory_space<vmem>>, vector<16xf32>,
      %swap3A_228 = vector.shape_cast %swap3A_227 : vector<16xf32> to vector<16xf32>
      %swap3A_229 = vector.shape_cast %get3A_149 : vector<16xf32> to vector<16xf32>
      tpu.vector_store %arg6[%swap3A_226], %swap3A_229 {strides = array<i32>} : memref<16384xf32, #tpu.memory_space<vmem>>, vector<16xf32>,
      %add3A_230 = arith.constant 64 : i32
      %add3A_231 = arith.addi %mul3A_206, %add3A_230 : i32
      %swap3A_232 = arith.index_cast %add3A_231 : i32 to index
      %swap3A_233 = tpu.vector_load %arg6[%swap3A_232] {strides = array<i32>} : memref<16384xf32, #tpu.memory_space<vmem>>, vector<16xf32>,
      %swap3A_234 = vector.shape_cast %swap3A_233 : vector<16xf32> to vector<16xf32>
      %swap3A_235 = vector.shape_cast %get3A_156 : vector<16xf32> to vector<16xf32>
      tpu.vector_store %arg6[%swap3A_232], %swap3A_235 {strides = array<i32>} : memref<16384xf32, #tpu.memory_space<vmem>>, vector<16xf32>,
      %add3A_236 = arith.constant 80 : i32
      %add3A_237 = arith.addi %mul3A_206, %add3A_236 : i32
      %swap3A_238 = arith.index_cast %add3A_237 : i32 to index
      %swap3A_239 = tpu.vector_load %arg6[%swap3A_238] {strides = array<i32>} : memref<16384xf32, #tpu.memory_space<vmem>>, vector<16xf32>,
      %swap3A_240 = vector.shape_cast %swap3A_239 : vector<16xf32> to vector<16xf32>
      %swap3A_241 = vector.shape_cast %get3A_163 : vector<16xf32> to vector<16xf32>
      tpu.vector_store %arg6[%swap3A_238], %swap3A_241 {strides = array<i32>} : memref<16384xf32, #tpu.memory_space<vmem>>, vector<16xf32>,
      %add3A_242 = arith.constant 96 : i32
      %add3A_243 = arith.addi %mul3A_206, %add3A_242 : i32
      %swap3A_244 = arith.index_cast %add3A_243 : i32 to index
      %swap3A_245 = tpu.vector_load %arg6[%swap3A_244] {strides = array<i32>} : memref<16384xf32, #tpu.memory_space<vmem>>, vector<16xf32>,
      %swap3A_246 = vector.shape_cast %swap3A_245 : vector<16xf32> to vector<16xf32>
      %swap3A_247 = vector.shape_cast %get3A_170 : vector<16xf32> to vector<16xf32>
      tpu.vector_store %arg6[%swap3A_244], %swap3A_247 {strides = array<i32>} : memref<16384xf32, #tpu.memory_space<vmem>>, vector<16xf32>,
      %add3A_248 = arith.constant 112 : i32
      %add3A_249 = arith.addi %mul3A_206, %add3A_248 : i32
      %swap3A_250 = arith.index_cast %add3A_249 : i32 to index
      %swap3A_251 = tpu.vector_load %arg6[%swap3A_250] {strides = array<i32>} : memref<16384xf32, #tpu.memory_space<vmem>>, vector<16xf32>,
      %swap3A_252 = vector.shape_cast %swap3A_251 : vector<16xf32> to vector<16xf32>
      %swap3A_253 = vector.shape_cast %get3A_177 : vector<16xf32> to vector<16xf32>
      tpu.vector_store %arg6[%swap3A_250], %swap3A_253 {strides = array<i32>} : memref<16384xf32, #tpu.memory_space<vmem>>, vector<16xf32>,
      %mul3A_254 = arith.constant 4 : i32
      %mul3A_255 = arith.muli %mul3A_254, %scan3A_200 : i32
      %add3A_256 = arith.constant 1 : i32
      %add3A_257 = arith.addi %mul3A_255, %add3A_256 : i32
      %mul3A_258 = arith.constant 128 : i32
      %mul3A_259 = arith.muli %add3A_257, %mul3A_258 : i32
      %add3A_260 = arith.constant 0 : i32
      %add3A_261 = arith.addi %mul3A_259, %add3A_260 : i32
      %swap3A_262 = arith.index_cast %add3A_261 : i32 to index
      %swap3A_263 = tpu.vector_load %arg6[%swap3A_262] {strides = array<i32>} : memref<16384xf32, #tpu.memory_space<vmem>>, vector<16xf32>,
      %swap3A_264 = vector.shape_cast %swap3A_263 : vector<16xf32> to vector<16xf32>
      %swap3A_265 = vector.shape_cast %get3A_128 : vector<16xf32> to vector<16xf32>
      tpu.vector_store %arg6[%swap3A_262], %swap3A_265 {strides = array<i32>} : memref<16384xf32, #tpu.memory_space<vmem>>, vector<16xf32>,
      %add3A_266 = arith.constant 16 : i32
      %add3A_267 = arith.addi %mul3A_259, %add3A_266 : i32
      %swap3A_268 = arith.index_cast %add3A_267 : i32 to index
      %swap3A_269 = tpu.vector_load %arg6[%swap3A_268] {strides = array<i32>} : memref<16384xf32, #tpu.memory_space<vmem>>, vector<16xf32>,
      %swap3A_270 = vector.shape_cast %swap3A_269 : vector<16xf32> to vector<16xf32>
      %swap3A_271 = vector.shape_cast %get3A_135 : vector<16xf32> to vector<16xf32>
      tpu.vector_store %arg6[%swap3A_268], %swap3A_271 {strides = array<i32>} : memref<16384xf32, #tpu.memory_space<vmem>>, vector<16xf32>,
      %add3A_272 = arith.constant 32 : i32
      %add3A_273 = arith.addi %mul3A_259, %add3A_272 : i32
      %swap3A_274 = arith.index_cast %add3A_273 : i32 to index
      %swap3A_275 = tpu.vector_load %arg6[%swap3A_274] {strides = array<i32>} : memref<16384xf32, #tpu.memory_space<vmem>>, vector<16xf32>,
      %swap3A_276 = vector.shape_cast %swap3A_275 : vector<16xf32> to vector<16xf32>
      %swap3A_277 = vector.shape_cast %get3A_142 : vector<16xf32> to vector<16xf32>
      tpu.vector_store %arg6[%swap3A_274], %swap3A_277 {strides = array<i32>} : memref<16384xf32, #tpu.memory_space<vmem>>, vector<16xf32>,
      %add3A_278 = arith.constant 48 : i32
      %add3A_279 = arith.addi %mul3A_259, %add3A_278 : i32
      %swap3A_280 = arith.index_cast %add3A_279 : i32 to index
      %swap3A_281 = tpu.vector_load %arg6[%swap3A_280] {strides = array<i32>} : memref<16384xf32, #tpu.memory_space<vmem>>, vector<16xf32>,
      %swap3A_282 = vector.shape_cast %swap3A_281 : vector<16xf32> to vector<16xf32>
      %swap3A_283 = vector.shape_cast %get3A_149 : vector<16xf32> to vector<16xf32>
      tpu.vector_store %arg6[%swap3A_280], %swap3A_283 {strides = array<i32>} : memref<16384xf32, #tpu.memory_space<vmem>>, vector<16xf32>,
      %add3A_284 = arith.constant 64 : i32
      %add3A_285 = arith.addi %mul3A_259, %add3A_284 : i32
      %swap3A_286 = arith.index_cast %add3A_285 : i32 to index
      %swap3A_287 = tpu.vector_load %arg6[%swap3A_286] {strides = array<i32>} : memref<16384xf32, #tpu.memory_space<vmem>>, vector<16xf32>,
      %swap3A_288 = vector.shape_cast %swap3A_287 : vector<16xf32> to vector<16xf32>
      %swap3A_289 = vector.shape_cast %get3A_156 : vector<16xf32> to vector<16xf32>
      tpu.vector_store %arg6[%swap3A_286], %swap3A_289 {strides = array<i32>} : memref<16384xf32, #tpu.memory_space<vmem>>, vector<16xf32>,
      %add3A_290 = arith.constant 80 : i32
      %add3A_291 = arith.addi %mul3A_259, %add3A_290 : i32
      %swap3A_292 = arith.index_cast %add3A_291 : i32 to index
      %swap3A_293 = tpu.vector_load %arg6[%swap3A_292] {strides = array<i32>} : memref<16384xf32, #tpu.memory_space<vmem>>, vector<16xf32>,
      %swap3A_294 = vector.shape_cast %swap3A_293 : vector<16xf32> to vector<16xf32>
      %swap3A_295 = vector.shape_cast %get3A_163 : vector<16xf32> to vector<16xf32>
      tpu.vector_store %arg6[%swap3A_292], %swap3A_295 {strides = array<i32>} : memref<16384xf32, #tpu.memory_space<vmem>>, vector<16xf32>,
      %add3A_296 = arith.constant 96 : i32
      %add3A_297 = arith.addi %mul3A_259, %add3A_296 : i32
      %swap3A_298 = arith.index_cast %add3A_297 : i32 to index
      %swap3A_299 = tpu.vector_load %arg6[%swap3A_298] {strides = array<i32>} : memref<16384xf32, #tpu.memory_space<vmem>>, vector<16xf32>,
      %swap3A_300 = vector.shape_cast %swap3A_299 : vector<16xf32> to vector<16xf32>
      %swap3A_301 = vector.shape_cast %get3A_170 : vector<16xf32> to vector<16xf32>
      tpu.vector_store %arg6[%swap3A_298], %swap3A_301 {strides = array<i32>} : memref<16384xf32, #tpu.memory_space<vmem>>, vector<16xf32>,
      %add3A_302 = arith.constant 112 : i32
      %add3A_303 = arith.addi %mul3A_259, %add3A_302 : i32
      %swap3A_304 = arith.index_cast %add3A_303 : i32 to index
      %swap3A_305 = tpu.vector_load %arg6[%swap3A_304] {strides = array<i32>} : memref<16384xf32, #tpu.memory_space<vmem>>, vector<16xf32>,
      %swap3A_306 = vector.shape_cast %swap3A_305 : vector<16xf32> to vector<16xf32>
      %swap3A_307 = vector.shape_cast %get3A_177 : vector<16xf32> to vector<16xf32>
      tpu.vector_store %arg6[%swap3A_304], %swap3A_307 {strides = array<i32>} : memref<16384xf32, #tpu.memory_space<vmem>>, vector<16xf32>,
      %mul3A_308 = arith.constant 4 : i32
      %mul3A_309 = arith.muli %mul3A_308, %scan3A_200 : i32
      %add3A_310 = arith.constant 2 : i32
      %add3A_311 = arith.addi %mul3A_309, %add3A_310 : i32
      %mul3A_312 = arith.constant 128 : i32
      %mul3A_313 = arith.muli %add3A_311, %mul3A_312 : i32
      %add3A_314 = arith.constant 0 : i32
      %add3A_315 = arith.addi %mul3A_313, %add3A_314 : i32
      %swap3A_316 = arith.index_cast %add3A_315 : i32 to index
      %swap3A_317 = tpu.vector_load %arg6[%swap3A_316] {strides = array<i32>} : memref<16384xf32, #tpu.memory_space<vmem>>, vector<16xf32>,
      %swap3A_318 = vector.shape_cast %swap3A_317 : vector<16xf32> to vector<16xf32>
      %swap3A_319 = vector.shape_cast %get3A_128 : vector<16xf32> to vector<16xf32>
      tpu.vector_store %arg6[%swap3A_316], %swap3A_319 {strides = array<i32>} : memref<16384xf32, #tpu.memory_space<vmem>>, vector<16xf32>,
      %add3A_320 = arith.constant 16 : i32
      %add3A_321 = arith.addi %mul3A_313, %add3A_320 : i32
      %swap3A_322 = arith.index_cast %add3A_321 : i32 to index
      %swap3A_323 = tpu.vector_load %arg6[%swap3A_322] {strides = array<i32>} : memref<16384xf32, #tpu.memory_space<vmem>>, vector<16xf32>,
      %swap3A_324 = vector.shape_cast %swap3A_323 : vector<16xf32> to vector<16xf32>
      %swap3A_325 = vector.shape_cast %get3A_135 : vector<16xf32> to vector<16xf32>
      tpu.vector_store %arg6[%swap3A_322], %swap3A_325 {strides = array<i32>} : memref<16384xf32, #tpu.memory_space<vmem>>, vector<16xf32>,
      %add3A_326 = arith.constant 32 : i32
      %add3A_327 = arith.addi %mul3A_313, %add3A_326 : i32
      %swap3A_328 = arith.index_cast %add3A_327 : i32 to index
      %swap3A_329 = tpu.vector_load %arg6[%swap3A_328] {strides = array<i32>} : memref<16384xf32, #tpu.memory_space<vmem>>, vector<16xf32>,
      %swap3A_330 = vector.shape_cast %swap3A_329 : vector<16xf32> to vector<16xf32>
      %swap3A_331 = vector.shape_cast %get3A_142 : vector<16xf32> to vector<16xf32>
      tpu.vector_store %arg6[%swap3A_328], %swap3A_331 {strides = array<i32>} : memref<16384xf32, #tpu.memory_space<vmem>>, vector<16xf32>,
      %add3A_332 = arith.constant 48 : i32
      %add3A_333 = arith.addi %mul3A_313, %add3A_332 : i32
      %swap3A_334 = arith.index_cast %add3A_333 : i32 to index
      %swap3A_335 = tpu.vector_load %arg6[%swap3A_334] {strides = array<i32>} : memref<16384xf32, #tpu.memory_space<vmem>>, vector<16xf32>,
      %swap3A_336 = vector.shape_cast %swap3A_335 : vector<16xf32> to vector<16xf32>
      %swap3A_337 = vector.shape_cast %get3A_149 : vector<16xf32> to vector<16xf32>
      tpu.vector_store %arg6[%swap3A_334], %swap3A_337 {strides = array<i32>} : memref<16384xf32, #tpu.memory_space<vmem>>, vector<16xf32>,
      %add3A_338 = arith.constant 64 : i32
      %add3A_339 = arith.addi %mul3A_313, %add3A_338 : i32
      %swap3A_340 = arith.index_cast %add3A_339 : i32 to index
      %swap3A_341 = tpu.vector_load %arg6[%swap3A_340] {strides = array<i32>} : memref<16384xf32, #tpu.memory_space<vmem>>, vector<16xf32>,
      %swap3A_342 = vector.shape_cast %swap3A_341 : vector<16xf32> to vector<16xf32>
      %swap3A_343 = vector.shape_cast %get3A_156 : vector<16xf32> to vector<16xf32>
      tpu.vector_store %arg6[%swap3A_340], %swap3A_343 {strides = array<i32>} : memref<16384xf32, #tpu.memory_space<vmem>>, vector<16xf32>,
      %add3A_344 = arith.constant 80 : i32
      %add3A_345 = arith.addi %mul3A_313, %add3A_344 : i32
      %swap3A_346 = arith.index_cast %add3A_345 : i32 to index
      %swap3A_347 = tpu.vector_load %arg6[%swap3A_346] {strides = array<i32>} : memref<16384xf32, #tpu.memory_space<vmem>>, vector<16xf32>,
      %swap3A_348 = vector.shape_cast %swap3A_347 : vector<16xf32> to vector<16xf32>
      %swap3A_349 = vector.shape_cast %get3A_163 : vector<16xf32> to vector<16xf32>
      tpu.vector_store %arg6[%swap3A_346], %swap3A_349 {strides = array<i32>} : memref<16384xf32, #tpu.memory_space<vmem>>, vector<16xf32>,
      %add3A_350 = arith.constant 96 : i32
      %add3A_351 = arith.addi %mul3A_313, %add3A_350 : i32
      %swap3A_352 = arith.index_cast %add3A_351 : i32 to index
      %swap3A_353 = tpu.vector_load %arg6[%swap3A_352] {strides = array<i32>} : memref<16384xf32, #tpu.memory_space<vmem>>, vector<16xf32>,
      %swap3A_354 = vector.shape_cast %swap3A_353 : vector<16xf32> to vector<16xf32>
      %swap3A_355 = vector.shape_cast %get3A_170 : vector<16xf32> to vector<16xf32>
      tpu.vector_store %arg6[%swap3A_352], %swap3A_355 {strides = array<i32>} : memref<16384xf32, #tpu.memory_space<vmem>>, vector<16xf32>,
      %add3A_356 = arith.constant 112 : i32
      %add3A_357 = arith.addi %mul3A_313, %add3A_356 : i32
      %swap3A_358 = arith.index_cast %add3A_357 : i32 to index
      %swap3A_359 = tpu.vector_load %arg6[%swap3A_358] {strides = array<i32>} : memref<16384xf32, #tpu.memory_space<vmem>>, vector<16xf32>,
      %swap3A_360 = vector.shape_cast %swap3A_359 : vector<16xf32> to vector<16xf32>
      %swap3A_361 = vector.shape_cast %get3A_177 : vector<16xf32> to vector<16xf32>
      tpu.vector_store %arg6[%swap3A_358], %swap3A_361 {strides = array<i32>} : memref<16384xf32, #tpu.memory_space<vmem>>, vector<16xf32>,
      %mul3A_362 = arith.constant 4 : i32
      %mul3A_363 = arith.muli %mul3A_362, %scan3A_200 : i32
      %add3A_364 = arith.constant 3 : i32
      %add3A_365 = arith.addi %mul3A_363, %add3A_364 : i32
      %mul3A_366 = arith.constant 128 : i32
      %mul3A_367 = arith.muli %add3A_365, %mul3A_366 : i32
      %add3A_368 = arith.constant 0 : i32
      %add3A_369 = arith.addi %mul3A_367, %add3A_368 : i32
      %swap3A_370 = arith.index_cast %add3A_369 : i32 to index
      %swap3A_371 = tpu.vector_load %arg6[%swap3A_370] {strides = array<i32>} : memref<16384xf32, #tpu.memory_space<vmem>>, vector<16xf32>,
      %swap3A_372 = vector.shape_cast %swap3A_371 : vector<16xf32> to vector<16xf32>
      %swap3A_373 = vector.shape_cast %get3A_128 : vector<16xf32> to vector<16xf32>
      tpu.vector_store %arg6[%swap3A_370], %swap3A_373 {strides = array<i32>} : memref<16384xf32, #tpu.memory_space<vmem>>, vector<16xf32>,
      %add3A_374 = arith.constant 16 : i32
      %add3A_375 = arith.addi %mul3A_367, %add3A_374 : i32
      %swap3A_376 = arith.index_cast %add3A_375 : i32 to index
      %swap3A_377 = tpu.vector_load %arg6[%swap3A_376] {strides = array<i32>} : memref<16384xf32, #tpu.memory_space<vmem>>, vector<16xf32>,
      %swap3A_378 = vector.shape_cast %swap3A_377 : vector<16xf32> to vector<16xf32>
      %swap3A_379 = vector.shape_cast %get3A_135 : vector<16xf32> to vector<16xf32>
      tpu.vector_store %arg6[%swap3A_376], %swap3A_379 {strides = array<i32>} : memref<16384xf32, #tpu.memory_space<vmem>>, vector<16xf32>,
      %add3A_380 = arith.constant 32 : i32
      %add3A_381 = arith.addi %mul3A_367, %add3A_380 : i32
      %swap3A_382 = arith.index_cast %add3A_381 : i32 to index
      %swap3A_383 = tpu.vector_load %arg6[%swap3A_382] {strides = array<i32>} : memref<16384xf32, #tpu.memory_space<vmem>>, vector<16xf32>,
      %swap3A_384 = vector.shape_cast %swap3A_383 : vector<16xf32> to vector<16xf32>
      %swap3A_385 = vector.shape_cast %get3A_142 : vector<16xf32> to vector<16xf32>
      tpu.vector_store %arg6[%swap3A_382], %swap3A_385 {strides = array<i32>} : memref<16384xf32, #tpu.memory_space<vmem>>, vector<16xf32>,
      %add3A_386 = arith.constant 48 : i32
      %add3A_387 = arith.addi %mul3A_367, %add3A_386 : i32
      %swap3A_388 = arith.index_cast %add3A_387 : i32 to index
      %swap3A_389 = tpu.vector_load %arg6[%swap3A_388] {strides = array<i32>} : memref<16384xf32, #tpu.memory_space<vmem>>, vector<16xf32>,
      %swap3A_390 = vector.shape_cast %swap3A_389 : vector<16xf32> to vector<16xf32>
      %swap3A_391 = vector.shape_cast %get3A_149 : vector<16xf32> to vector<16xf32>
      tpu.vector_store %arg6[%swap3A_388], %swap3A_391 {strides = array<i32>} : memref<16384xf32, #tpu.memory_space<vmem>>, vector<16xf32>,
      %add3A_392 = arith.constant 64 : i32
      %add3A_393 = arith.addi %mul3A_367, %add3A_392 : i32
      %swap3A_394 = arith.index_cast %add3A_393 : i32 to index
      %swap3A_395 = tpu.vector_load %arg6[%swap3A_394] {strides = array<i32>} : memref<16384xf32, #tpu.memory_space<vmem>>, vector<16xf32>,
      %swap3A_396 = vector.shape_cast %swap3A_395 : vector<16xf32> to vector<16xf32>
      %swap3A_397 = vector.shape_cast %get3A_156 : vector<16xf32> to vector<16xf32>
      tpu.vector_store %arg6[%swap3A_394], %swap3A_397 {strides = array<i32>} : memref<16384xf32, #tpu.memory_space<vmem>>, vector<16xf32>,
      %add3A_398 = arith.constant 80 : i32
      %add3A_399 = arith.addi %mul3A_367, %add3A_398 : i32
      %swap3A_400 = arith.index_cast %add3A_399 : i32 to index
      %swap3A_401 = tpu.vector_load %arg6[%swap3A_400] {strides = array<i32>} : memref<16384xf32, #tpu.memory_space<vmem>>, vector<16xf32>,
      %swap3A_402 = vector.shape_cast %swap3A_401 : vector<16xf32> to vector<16xf32>
      %swap3A_403 = vector.shape_cast %get3A_163 : vector<16xf32> to vector<16xf32>
      tpu.vector_store %arg6[%swap3A_400], %swap3A_403 {strides = array<i32>} : memref<16384xf32, #tpu.memory_space<vmem>>, vector<16xf32>,
      %add3A_404 = arith.constant 96 : i32
      %add3A_405 = arith.addi %mul3A_367, %add3A_404 : i32
      %swap3A_406 = arith.index_cast %add3A_405 : i32 to index
      %swap3A_407 = tpu.vector_load %arg6[%swap3A_406] {strides = array<i32>} : memref<16384xf32, #tpu.memory_space<vmem>>, vector<16xf32>,
      %swap3A_408 = vector.shape_cast %swap3A_407 : vector<16xf32> to vector<16xf32>
      %swap3A_409 = vector.shape_cast %get3A_170 : vector<16xf32> to vector<16xf32>
      tpu.vector_store %arg6[%swap3A_406], %swap3A_409 {strides = array<i32>} : memref<16384xf32, #tpu.memory_space<vmem>>, vector<16xf32>,
      %add3A_410 = arith.constant 112 : i32
      %add3A_411 = arith.addi %mul3A_367, %add3A_410 : i32
      %swap3A_412 = arith.index_cast %add3A_411 : i32 to index
      %swap3A_413 = tpu.vector_load %arg6[%swap3A_412] {strides = array<i32>} : memref<16384xf32, #tpu.memory_space<vmem>>, vector<16xf32>,
      %swap3A_414 = vector.shape_cast %swap3A_413 : vector<16xf32> to vector<16xf32>
      %swap3A_415 = vector.shape_cast %get3A_177 : vector<16xf32> to vector<16xf32>
      tpu.vector_store %arg6[%swap3A_412], %swap3A_415 {strides = array<i32>} : memref<16384xf32, #tpu.memory_space<vmem>>, vector<16xf32>,
    }
    %scan3A_183 = arith.constant 32 : i32
    %while3A_184 = arith.constant 0 : i32
    %while3A_185 = arith.constant 60 : i32
    %while3A_186 = arith.subi %while3A_185, %select_n3A_52 : i32
    %while3A_187 = arith.addi %select_n3A_52, %while3A_186 : i32
    %while3A_188 = arith.constant 1 : i32
    %while3A_189 = arith.divsi %while3A_186, %while3A_188 : i32
    %while3A_190 = arith.muli %while3A_189, %while3A_188 : i32
    %while3A_191 = arith.addi %select_n3A_52, %while3A_190 : i32
    %while3A_192 = arith.constant 1 : i32
    scf.for %while3A_200 = %select_n3A_52 to %while3A_191 step %while3A_192  : i32 {
      %add3A_201 = arith.addi %mul3A_2, %while3A_200 : i32
      %mul3A_202 = arith.constant 16384 : i32
      %mul3A_203 = arith.muli %add3A_201, %mul3A_202 : i32
      %dma_start3A = tpu.memref_slice %arg3[%mul3A_203] : memref<44564480xf32, #tpu.memory_space<hbm>> -> memref<16384xf32, #tpu.memory_space<hbm>>
      %dma_start3A_204 = tpu.memref_slice %arg3[%mul3A_203] : memref<44564480xf32, #tpu.memory_space<hbm>> -> memref<16384xf32, #tpu.memory_space<hbm>>
      tpu.enqueue_dma source(%arg6 : memref<16384xf32, #tpu.memory_space<vmem>>) target(%dma_start3A_204 : memref<16384xf32, #tpu.memory_space<hbm>>) target_semaphore(%arg7 : memref<!tpu.dma_semaphore, #tpu.memory_space<semaphore_mem>>)
    }
    %while3A_193 = arith.constant 1 : i32
    scf.for %while3A_200 = %while3A_191 to %while3A_187 step %while3A_193  : i32 {
      %add3A_201 = arith.addi %mul3A_2, %while3A_200 : i32
      %mul3A_202 = arith.constant 16384 : i32
      %mul3A_203 = arith.muli %add3A_201, %mul3A_202 : i32
      %dma_start3A = tpu.memref_slice %arg3[%mul3A_203] : memref<44564480xf32, #tpu.memory_space<hbm>> -> memref<16384xf32, #tpu.memory_space<hbm>>
      %dma_start3A_204 = tpu.memref_slice %arg3[%mul3A_203] : memref<44564480xf32, #tpu.memory_space<hbm>> -> memref<16384xf32, #tpu.memory_space<hbm>>
      tpu.enqueue_dma source(%arg6 : memref<16384xf32, #tpu.memory_space<vmem>>) target(%dma_start3A_204 : memref<16384xf32, #tpu.memory_space<hbm>>) target_semaphore(%arg7 : memref<!tpu.dma_semaphore, #tpu.memory_space<semaphore_mem>>)
    }
    %scan3A_194 = arith.constant 0 : i32
    %scan3A_195 = arith.constant 0 : i32
    %scan3A_196 = arith.constant 60 : i32
    %scan3A_197 = arith.addi %scan3A_195, %scan3A_196 : i32
    %scan3A_198 = arith.constant 1 : i32
    scf.for %scan3A_200 = %scan3A_195 to %scan3A_197 step %scan3A_198  : i32 {
      %dma_wait3A = arith.constant 0 : i32
      %dma_wait3A_201 = tpu.memref_slice %arg3[%dma_wait3A] : memref<44564480xf32, #tpu.memory_space<hbm>> -> memref<16384xf32, #tpu.memory_space<hbm>>
      %dma_wait3A_202 = arith.constant 0 : i32
      %dma_wait3A_203 = tpu.memref_slice %arg3[%dma_wait3A_202] : memref<44564480xf32, #tpu.memory_space<hbm>> -> memref<16384xf32, #tpu.memory_space<hbm>>
      tpu.wait_dma2 semaphore(%arg7 : memref<!tpu.dma_semaphore, #tpu.memory_space<semaphore_mem>>) src(%dma_wait3A_203 : memref<16384xf32, #tpu.memory_space<hbm>>) dst(%arg5 : memref<16384xf32, #tpu.memory_space<vmem>>)
    }
    %scan3A_199 = arith.constant 60 : i32
    return
  }
}

</mosaic_0001>

<sc_bundles>
// kernel: kernel.3.cloned.1.call-start
scs
__scs_entry_jumppad:
0x0: {  	(pc) =	sbr.rel $0x88, $3  }
0x1: {  	(tag) =	ssettag $0x0;
	lr =	simm.s32 $0x1  }
0x2: {  	[smem:$0x3FA0] =	sst lr;
	_ =	strace $0xD0000000  }
0x3: {  	_ = 	snop  }
0x4: {  	_ = 	snop  }
0x5: {  	_ = 	snop  }
0x6: {  	_ = 	snop  }
0x7: {  	_ = 	snop  }
__scs_overlays_trampoline_lowered:
0x8: {  	[smem:$0x3FAF] =	sst s0  }
0x9: {  	[smem:$0x3FB0] =	sst s1  }
0xa: {  	[smem:$0x3FB1] =	sst s2  }
0xb: {  	[smem:$0x3FB2] =	sst s3  }
0xc: {  	[smem:$0x3FB3] =	sst s4  }
0xd: {  	[smem:$0x3FB4] =	sst s5  }
0xe: {  	[smem:$0x3FB5] =	sst s6  }
0xf: {  	[smem:$0x3FB6] =	sst s7  }
0x10: {  	[smem:$0x3FB7] =	sst s8  }
0x11: {  	[smem:$0x3FB8] =	sst s9;
	s0 =	simm.s32 @!p0 $0x0  }
0x12: {  	s1 =	sld [smem:$0x3F9E];
	s0 =	simm.s32 @p0 $0x1  }
0x13: {  	[smem:$0x3FB9] =	sst s0;
	s0 =	simm.s32 @!p1 $0x0  }
0x14: {  	s2 =	sld [smem:$0x3F9D];
	s0 =	simm.s32 @p1 $0x1  }
0x15: {  	[smem:$0x3FBA] =	sst s0;
	s0 =	simm.s32 @!p2 $0x0  }
0x16: {  	s3 =	sld [smem:$0x3FDB];
	s0 =	simm.s32 @p2 $0x1  }
0x17: {  	s4 =	simm.s32 $0x1BF5;
	[smem:$0x3FBC] =	sst s0  }
0x18: {  	s0 =	sld [smem:$0x3F9F];
	_ =	swait.ge [sflag:s4], $0x0  }
0x19: {  	s7 =	sld [smem:$0x3FA0]  }
0x1a: {  	s8 =	sadd.s32 $0xFFFFE003, lr  }
0x1b: {  	s9 =	sadd.s32 $0xFFFFFEF7, lr;
	s5 =	simm.s32 $0xFFFFFFFF;
	p2 =	slt.u32 s8, $0xFFFFF086  }
0x1c: {  	p1 =	slt.u32 s9, $0xF7A;
	s5 =	simm.s32 @!p2 $0x0  }
0x1d: {  	s5 =	simm.s32 @p1 $0x1;
	p0 =	seq.s32 s7, s2  }
0x1e: {  	s7 =	smul.u32 @!p0 $0xF7A, s2;
	p2 =	seq.s32 @!p0 s5, $0x0  }
0x1f: {  	s9 =	smul.u32 $0xF7A, s1;
	s8 =	simm.s32 @!p0 $0x1BF5;
	p2 =	por !p2, p0  }
0x20: {  	[sflag:s8] =	ssyncset.s32 @!p0 $0xFFFFF086;
	s6 =	sadd.s32 @!p0 s3, s7;
	s7 =	simm.s32 @!p0 $0x108  }
0x21: {  	s3 =	sadd.s32 s3, s9;
	s6 =	sadd.s32 @!p0 $0x88, s6;
	s7 =	simm.s32 @p2 $0x1082  }
0x22: {  	[simem:s7], [sflag:s8] =	dma.local @!p0 [hbm:s6], $0xF7A  }
0x23: {  	s9 =	sor.u32 $0xD0000000, s2;
	s6 =	simm.s32 $0x108;
	_ =	swait.ge @!p0 [sflag:s8], $0x0  }
0x24: {  	s3 =	sadd.s32 $0x88, s3;
	s6 =	simm.s32 @!p1 $0x1082;
	[sflag:s4] =	ssyncset.s32 $0xFFFFF086  }
0x25: {  	[simem:s6], [sflag:s4] =	dma.local [hbm:s3], $0xF7A  }
0x26: {  	[smem:$0x3FA0] =	sst s1;
	(tag) =	ssettag s2;
	_ =	strace s9  }
0x27: {  	s1 =	sld [smem:$0x3FB0]  }
0x28: {  	s2 =	sld [smem:$0x3FB1]  }
0x29: {  	s4 =	sld [smem:$0x3FB3]  }
0x2a: {  	p0 =	seq.s32 s5, $0x0;
	s5 =	sld [smem:$0x3FB4]  }
0x2b: {  	s6 =	sld [smem:$0x3FB5]  }
0x2c: {  	s7 =	sld [smem:$0x3FB6]  }
0x2d: {  	s3 =	simm.s32 $0x108;
	s8 =	sld [smem:$0x3FB7]  }
0x2e: {  	s3 =	simm.s32 @!p0 $0x1082;
	s9 =	sld [smem:$0x3FB8]  }
0x2f: {  	lr =	sadd.s32 s0, s3;
	s0 =	sld [smem:$0x3FAF]  }
0x30: {  	s3 =	sld [smem:$0x3FB2]  }
0x31: {  	[smem:$0x3FBB] =	sst s10  }
0x32: {  	s10 =	sld [smem:$0x3FB9];
	_ =	sdelay $0x3  }
0x33: {  	p0 =	seq.s32 s10, $0x1;
	s10 =	sld [smem:$0x3FBB];
	_ =	sdelay $0x3  }
0x34: {  	[smem:$0x3FBB] =	sst s10  }
0x35: {  	s10 =	sld [smem:$0x3FBA];
	_ =	sdelay $0x3  }
0x36: {  	p1 =	seq.s32 s10, $0x1;
	s10 =	sld [smem:$0x3FBB];
	_ =	sdelay $0x3  }
0x37: {  	[smem:$0x3FBB] =	sst s10  }
0x38: {  	s10 =	sld [smem:$0x3FBC]  }
0x39: {  	_ = 	snop;
	(pc) =	sbr.ind lr, $3  }
0x3a: {  	_ = 	snop  }
0x3b: {  	_ = 	snop  }
0x3c: {  	p2 =	seq.s32 s10, $0x1;
	s10 =	sld [smem:$0x3FBB]  }
0x3d: {  	_ =	shalt  }
0x3e: {  	_ =	shalt  }
0x3f: {  	_ =	shalt  }
0x40: {  	_ =	shalt  }
0x41: {  	_ =	shalt  }
0x42: {  	_ =	shalt  }
0x43: {  	_ =	shalt  }
0x44: {  	_ =	shalt  }
0x45: {  	_ =	shalt  }
0x46: {  	_ =	shalt  }
0x47: {  	_ =	shalt  }
0x48: {  	_ =	shalt  }
0x49: {  	_ =	shalt  }
0x4a: {  	_ =	shalt  }
0x4b: {  	_ =	shalt  }
0x4c: {  	_ =	shalt  }
0x4d: {  	_ =	shalt  }
0x4e: {  	_ =	shalt  }
0x4f: {  	_ =	shalt  }
0x50: {  	_ =	shalt  }
0x51: {  	_ =	shalt  }
0x52: {  	_ =	shalt  }
0x53: {  	_ =	shalt  }
0x54: {  	_ =	shalt  }
0x55: {  	_ =	shalt  }
0x56: {  	_ =	shalt  }
0x57: {  	_ =	shalt  }
0x58: {  	_ =	shalt  }
0x59: {  	_ =	shalt  }
0x5a: {  	_ =	shalt  }
0x5b: {  	_ =	shalt  }
0x5c: {  	_ =	shalt  }
0x5d: {  	_ =	shalt  }
0x5e: {  	_ =	shalt  }
0x5f: {  	_ =	shalt  }
0x60: {  	_ =	shalt  }
0x61: {  	_ =	shalt  }
0x62: {  	_ =	shalt  }
0x63: {  	_ =	shalt  }
0x64: {  	_ =	shalt  }
0x65: {  	_ =	shalt  }
0x66: {  	_ =	shalt  }
0x67: {  	_ =	shalt  }
0x68: {  	_ =	shalt  }
0x69: {  	_ =	shalt  }
0x6a: {  	_ =	shalt  }
0x6b: {  	_ =	shalt  }
0x6c: {  	_ =	shalt  }
0x6d: {  	_ =	shalt  }
0x6e: {  	_ =	shalt  }
0x6f: {  	_ =	shalt  }
0x70: {  	_ =	shalt  }
0x71: {  	_ =	shalt  }
0x72: {  	_ =	shalt  }
0x73: {  	_ =	shalt  }
0x74: {  	_ =	shalt  }
0x75: {  	_ =	shalt  }
0x76: {  	_ =	shalt  }
0x77: {  	_ =	shalt  }
0x78: {  	_ =	shalt  }
0x79: {  	_ =	shalt  }
0x7a: {  	_ =	shalt  }
0x7b: {  	_ =	shalt  }
0x7c: {  	_ =	shalt  }
0x7d: {  	_ =	shalt  }
0x7e: {  	_ =	shalt  }
0x7f: {  	_ =	shalt  }
0x80: {  	_ =	shalt  }
0x81: {  	_ =	shalt  }
0x82: {  	_ =	shalt  }
0x83: {  	_ =	shalt  }
0x84: {  	_ =	shalt  }
0x85: {  	_ =	shalt  }
0x86: {  	_ =	shalt  }
0x87: {  	_ =	shalt  }
.Lfunc_end0:
.L_simem_size_0:
called_computation_lowered:
.L_overlay_start_0:
0x88: {  	s2 =	sld [smem:$0x3FD9]  }
0x89: {  	s3 =	sld [smem:$0x3FFE];
	_ =	sdelay $0x1  }
0x8a: {  	s1 =	srdreg.scid  }
0x8b: {  	s0 =	sand.u32 $0x1, s1  }
0x8c: {  	s9 =	sshll.u32 s0, $0xA;
	s2 =	sadd.s32 s3, s2  }
0x8d: {  	s2 =	sadd.s32 s2, s9  }
0x8e: {  	s4 =	simm.s32 $0x0;
	[smem:$0x3FC7] =	sst s2  }
0x8f: {  	[smem:$0xF] =	sst s4  }
0x90: {  	s10 =	sld [smem:$0x3FC9]  }
0x91: {  	s2 =	sld [smem:$0x3FD0];
	(tm) =	ssettm $0x1  }
0x92: {  	s5 =	sld [smem:$0x3FFB];
	_ =	sdelay $0x3  }
0x93: {  	_ =	strace s5  }
0x94: {  	s5 =	sld [smem:$0x3FFC];
	_ =	sdelay $0x3  }
0x95: {  	_ =	strace s5  }
0x96: {  	s5 =	sld [smem:$0x3FFD];
	_ =	sdelay $0x3  }
0x97: {  	_ =	strace s5  }
0x98: {  	_ =	strace $0x8FFFFFFF  }
0x99: {  	s11 =	sld [smem:$0x3FDB];
	_ =	sdelay $0x2  }
0x9a: {  	s6 =	simm.s32 $_scs_section_size;
	s7 =	simm.s32 $_tile_overlayer_lowered  }
0x9b: {  	s12 =	simm.s32 $_size__tile_overlayer_lowered;
	s7 =	sshll.u32 s7, $0x1;
	s5 =	sadd.s32 s6, s11  }
0x9c: {  	s8 =	simm.s32 $0x1BFF;
	s6 =	sshll.u32 s12, $0x1;
	s7 =	sadd.s32 s7, s5  }
0x9d: {  	[timem:s4], [sflag:s8] =	dma.local [hbm:s7], s6  }
0x9e: {  	_ =	swait.ge [sflag:s8], s6  }
0x9f: {  	s6 =	ssub.s32 $0x0, s6;
	[sflag:s8] =	ssyncset.done $0x0  }
0xa0: {  	[sflag:s8] =	ssyncadd.s32 s6;
	_ =	sdelay $0x1  }
0xa1: {  	s13 =	simm.s32 $0x1B8B  }
0xa2: {  	_ =	swait.ge [sflag:s13], $0x1  }
0xa3: {  	[sflag:s13] =	ssyncset.done $0x0  }
0xa4: {  	s14 =	simm.s32 $0x1B8E;
	[sflag:s13] =	ssyncadd.s32 $0xFFFFFFFF  }
0xa5: {  	s15 =	simm.s32 $execute0_lowered;
	[smem:$0x3FD2] =	sst s14  }
0xa6: {  	s6 =	sshll.u32 s15, $0x1;
	_ =	strace $0x80000046;
	[dreg:$0x1] =	wrdreg $0xFFFFFFFF  }
0xa7: {  	s16 =	simm.s32 $_size_execute0_lowered;
	s5 =	sadd.s32 s5, s6;
	[dreg:$0x0] =	wrdreg $0x0  }
0xa8: {  	s6 =	sshll.u32 s16, $0x1;
	[dreg:$0x2] =	wrdreg s5  }
0xa9: {  	[dreg:$0x3] =	wrdreg s6  }
0xaa: {  	[dreg:$0x4] =	wrdreg $0xC0  }
0xab: {  	_ =	task [dreg:s4], $0x5FFFF  }
0xac: {  	[dreg:$0x1] =	wrdreg $0xFFFFFFFF  }
0xad: {  	[dreg:$0x0] =	wrdreg $0x60  }
0xae: {  	[dreg:$0x2] =	wrdreg s10  }
0xaf: {  	[dreg:$0x3] =	wrdreg s2  }
0xb0: {  	s18 =	simm.s32 $0xB;
	[dreg:$0x4] =	wrdreg $0x9  }
0xb1: {  	s3 =	simm.s32 $0x10400;
	s17 =	sadd.s32 $0x30, s10;
	_ =	task.clear_ibuf [dreg:s4], $0x5FFFF  }
0xb2: {  	[spmem:s3], [sflag:s18] =	dma.local [hbm:s17], $0x10  }
0xb3: {  	_ =	swait.ge [sflag:s18], $0x10  }
0xb4: {  	[sflag:s18] =	ssyncset.done $0x0  }
0xb5: {  	[sflag:s18] =	ssyncadd.s32 $0xFFFFFFF0  }
0xb6: {  	s19 =	simm.s32 $0x10410  }
0xb7: {  	[spmem:s19], [sflag:s18] =	dma.local [spmem:s3], $0x10  }
0xb8: {  	_ =	swait.ge [sflag:s18], $0x10  }
0xb9: {  	[sflag:s18] =	ssyncset.done $0x0  }
0xba: {  	[sflag:s18] =	ssyncadd.s32 $0xFFFFFFF0  }
0xbb: {  	s20 =	simm.s32 $0x10420  }
0xbc: {  	[spmem:s20], [sflag:s18] =	dma.local [spmem:s3], $0x20  }
0xbd: {  	_ =	swait.ge [sflag:s18], $0x20  }
0xbe: {  	[sflag:s18] =	ssyncset.done $0x0  }
0xbf: {  	[sflag:s18] =	ssyncadd.s32 $0xFFFFFFE0  }
0xc0: {  	s21 =	simm.s32 $0x10440  }
0xc1: {  	[spmem:s21], [sflag:s18] =	dma.local [spmem:s3], $0x40  }
0xc2: {  	_ =	swait.ge [sflag:s18], $0x40  }
0xc3: {  	[sflag:s18] =	ssyncset.done $0x0  }
0xc4: {  	[sflag:s18] =	ssyncadd.s32 $0xFFFFFFC0  }
0xc5: {  	s22 =	simm.s32 $0x10480  }
0xc6: {  	[spmem:s22], [sflag:s18] =	dma.local [spmem:s3], $0x80  }
0xc7: {  	_ =	swait.ge [sflag:s18], $0x80  }
0xc8: {  	[sflag:s18] =	ssyncset.done $0x0  }
0xc9: {  	[sflag:s18] =	ssyncadd.s32 $0xFFFFFF80  }
0xca: {  	s23 =	simm.s32 $0x10500  }
0xcb: {  	[spmem:s23], [sflag:s18] =	dma.local [spmem:s3], $0x100  }
0xcc: {  	_ =	swait.ge [sflag:s18], $0x100  }
0xcd: {  	[sflag:s18] =	ssyncset.done $0x0  }
0xce: {  	[sflag:s18] =	ssyncadd.s32 $0xFFFFFF00  }
0xcf: {  	s24 =	simm.s32 $0x10600  }
0xd0: {  	[spmem:s24], [sflag:s18] =	dma.local [spmem:s3], $0x200  }
0xd1: {  	_ =	swait.ge [sflag:s18], $0x200  }
0xd2: {  	[sflag:s18] =	ssyncset.done $0x0  }
0xd3: {  	[sflag:s18] =	ssyncadd.s32 $0xFFFFFE00  }
0xd4: {  	s25 =	simm.s32 $0x10800  }
0xd5: {  	[spmem:s25], [sflag:s18] =	dma.local [spmem:s3], $0x400  }
0xd6: {  	_ =	swait.ge [sflag:s18], $0x400  }
0xd7: {  	[sflag:s18] =	ssyncset.done $0x0  }
0xd8: {  	[sflag:s18] =	ssyncadd.s32 $0xFFFFFC00  }
0xd9: {  	s26 =	simm.s32 $0x10C00  }
0xda: {  	[spmem:s26], [sflag:s18] =	dma.local [spmem:s3], $0x800  }
0xdb: {  	_ =	swait.ge [sflag:s18], $0x800  }
0xdc: {  	[sflag:s18] =	ssyncset.done $0x0  }
0xdd: {  	[sflag:s18] =	ssyncadd.s32 $0xFFFFF800  }
0xde: {  	s28 =	simm.s32 $0x11400  }
0xdf: {  	[spmem:s28], [sflag:s18] =	dma.local [spmem:s3], $0x1000  }
0xe0: {  	_ =	swait.ge [sflag:s18], $0x1000  }
0xe1: {  	[sflag:s18] =	ssyncset.done $0x0  }
0xe2: {  	[sflag:s18] =	ssyncadd.s32 $0xFFFFF000  }
0xe3: {  	s29 =	simm.s32 $0x12400;
	s30 =	smul.u32 $0xC8000, s0  }
0xe4: {  	[spmem:s29], [sflag:s18] =	dma.local [spmem:s3], $0x2000  }
0xe5: {  	s2 =	sadd.s32 s30, s2;
	_ =	swait.ge [sflag:s18], $0x2000  }
0xe6: {  	s5 =	simm.s32 $0x4000;
	s31 =	sadd.s32 $0x0, s2;
	[sflag:s18] =	ssyncset.done $0x0  }
0xe7: {  	s4 =	simm.s32 $0xA;
	s6 =	sadd.s32 $0x3C0000, s31;
	[sflag:s18] =	ssyncadd.s32 $0xFFFFE000  }
.LBB1_1:
0xe8: {  	[hbm:s6], [sflag:s4] =	dma.local [spmem:s3], $0x4000  }
0xe9: {  	s6 =	smov.u32 s5;
	p0 =	sne.s32 s5, $0xC4000  }
.Ltmp0:
0xea: {  	s5 =	sadd.s32 $0x4000, s5;
	(pc) =	sbr.rel @p0 .LBB1_1-.Ltmp0, $3  }
0xeb: {  	_ = 	snop  }
0xec: {  	s6 =	sadd.s32 s6, s2  }
0xed: {  	s6 =	sadd.s32 $0x3C0000, s6  }
0xee: {  	[hbm:s6], [sflag:s4] =	dma.local [spmem:s3], $0x4000  }
0xef: {  	s2 =	simm.s32 $0xA  }
0xf0: {  	_ =	swait.ge [sflag:s2], $0x4000  }
0xf1: {  	s3 =	simm.s32 $0x31;
	[sflag:s2] =	ssyncset.done $0x0  }
.LBB1_3:
0xf2: {  	p0 =	sne.s32 s3, $0x1;
	s3 =	sadd.s32 $0xFFFFFFFF, s3;
	[sflag:s2] =	ssyncadd.s32 $0xFFFFC000  }
.Ltmp1:
0xf3: {  	(pc) =	sbr.rel @p0 .LBB1_3-.Ltmp1, $3  }
0xf4: {  	_ = 	snop  }
0xf5: {  	_ =	swait.ge [sflag:s2], $0x4000  }
0xf6: {  	[sflag:s2] =	ssyncset.done $0x0  }
0xf7: {  	[sflag:s2] =	ssyncadd.s32 $0xFFFFC000  }
0xf8: {  	_ =	strace $0x90000046  }
0xf9: {  	s26 =	simm.s32 $0x9;
	_ =	strace $0x80000048  }
0xfa: {  	_ =	swait.ge [sflag:s26], $0x1  }
0xfb: {  	[sflag:s26] =	ssyncadd.s32 $0xFFFFFFFF  }
0xfc: {  	_ =	strace $0x90000048  }
0xfd: {  	_ =	sfence  }
0xfe: {  	s28 =	sld [smem:$0x0];
	_ =	sdelay $0x2  }
0xff: {  	s3 =	sshll.u32 s1, $0xD;
	s29 =	sshrl.u32 s1, $0x2  }
0x100: {  	s30 =	sand.u32 $0x4000, s3;
	s1 =	sadd.s32 s29, s28  }
0x101: {  	s0 =	sor.u32 s30, s0;
	s1 =	sshll.u32 s1, $0x11  }
0x102: {  	s0 =	sor.u32 s1, s0  }
0x103: {  	s0 =	sadd.s32 $0x8F2B, s0  }
0x104: {  	[sflag:s0] =	ssyncadd.remote.s32 $0x1  }
0x105: {  	_ =	sfence.sel $0xFFFF  }
0x106: {  	[dreg:$0x0] =	wrdreg $0xFFFFFFFF;
	(pc) =	sbr.abs _section_cstart, $3  }
0x107: {  	s31 =	simm.s32 $0x0;
	[dreg:$0x1] =	wrdreg $0xFFFFFFFF  }
0x108: {  	_ =	task.clear_ibuf [dreg:s31], $0x2FFFF;
	_ =	strace $0x9FFFFFFF  }
0x109: {  	(tm) =	ssettm $0x7FFFFFFF  }
tec
execute0_lowered:
.L_overlay_start_1:
0x0: {  	(tag) =	ssettag $0x1  }
0x1: {  	s1 =	rddreg [dreg:$0x0]  }
0x2: {  	s2 =	rddreg [dreg:$0x1]  }
0x3: {  	s0 =	rddreg [dreg:$0x2];
	s5 =	srdreg.scid  }
0x4: {  	s4 =	simm.s32 $0x0;
	s3 =	stileid.u32;
	s12 =	simm.s32 $0x1  }
0x5: {  	s14 =	simm.s32 $0x1;
	s16 =	simm.s32 $0x0;
	s8 =	sand.u32 $0x1, s5  }
0x6: {  	[smem:$0x7FF] =	sst s4;
	s6 =	sshll.u32 s3, $0x1;
	s28 =	smul.u32 $0x3C000, s3  }
0x7: {  	s29 =	smul.u32 $0x78, s3;
	s5 =	ssub.s32 $0x2, s8;
	_ =	strace $0x80000047  }
0x8: {  	s9 =	sor.u32 s8, s6;
	s6 =	simm.s32 $0x1;
	s30 =	smul.u32 $0x3C, s8  }
0x9: {  	s7 =	sshrl.u32 s5, $0x1;
	p0 =	sgt.u32 s9, $0x2;
	p1 =	sne.s32 s9, $0x0  }
0xa: {  	s11 =	smul.u32 $0x3C, s9;
	s10 =	ssub.s32 s5, s7;
	s5 =	simm.s32 $0x1  }
0xb: {  	s7 =	simm.s32 $0x1;
	s5 =	simm.s32 @!p0 $0x0;
	p0 =	sgt.u32 s3, $0x5  }
0xc: {  	s15 =	smul.u32 $0x1E000, s8;
	s7 =	simm.s32 @!p1 $0x0;
	s6 =	simm.s32 @!p0 $0x0  }
0xd: {  	p1 =	seq.s32 s9, $0x0;
	s13 =	ssub.s32 $0xA0, s11;
	s6 =	sadd.s32 s6, s5  }
0xe: {  	s26 =	sadd.s32 $0xFFFFFF9B, s11;
	s7 =	sadd.s32 s7, s6;
	s6 =	simm.s32 $0x20  }
0xf: {  	p0 =	seq.s32 s3, $0x0;
	s5 =	simm.s32 $0x1;
	s6 =	simm.s32 @!p1 $0x3C  }
0x10: {  	s12 =	simm.s32 @!p0 $0x2;
	p0 =	sgt.u32 s9, $0xA;
	p1 =	slt.s32 s6, s13  }
0x11: {  	s9 =	ssub.s32 $0x2A0, s11;
	s13 =	smov.u32 @p1 s6;
	p1 =	slt.u32 s26, $0x3B  }
0x12: {  	s11 =	sadd.s32 $0xFFFFFD9B, s11;
	s14 =	simm.s32 @!p0 $0x0;
	s6 =	smov.u32 @p1 s13  }
0x13: {  	s12 =	sadd.s32 s14, s12;
	s7 =	sshll.u32 s7, $0x7;
	p0 =	slt.s32 s6, s9  }
0x14: {  	s14 =	simm.s32 $0x200;
	p1 =	slt.u32 s11, $0x3B;
	s9 =	smov.u32 @p0 s6  }
0x15: {  	s8 =	sshll.u32 s12, $0x7;
	s13 =	simm.s32 $0x2;
	s6 =	smov.u32 @p1 s9  }
0x16: {  	s9 =	smax.u32 s10, $0x1;
	s10 =	sadd.s32 s15, s28;
	s11 =	sadd.s32 s29, s6  }
0x17: {  	s15 =	simm.s32 $0x4200;
	p0 =	sgt.s32 s6, $0x0;
	s31 =	sadd.s32 s30, s11  }
0x18: {  	p1 =	slt.s32 s6, $0x3C;
	s11 =	ssub.s32 $0x3C, s6;
	s12 =	sshll.u32 s31, $0xB  }
.LBB2_1:
0x19: {  	[tilespmem:s4], [sflag:$0x2] =	stream.linear.gather [hbm4b:s1+s4], $0x200, $0x38;
	[tilespmem:$0xA200] =	vst v63  }
0x1a: {  	_ =	swait.ge [sflag:s13], $0x200  }
0x1b: {  	[sflag:s13] =	ssyncset.done $0x0  }
0x1c: {  	[sflag:s13] =	ssyncadd.s32 $0xFFFFFE00  }
0x1d: {  	v0 =	vld [tilespmem:s7+$0x0]  }
0x1e: {  	v1 =	vld [tilespmem:s7+$0x10]  }
0x1f: {  	v2 =	vld [tilespmem:s7+$0x20]  }
0x20: {  	v7 =	vld [tilespmem:s7+$0x70]  }
0x21: {  	v3 =	vld [tilespmem:s7+$0x30]  }
0x22: {  	v4 =	vld [tilespmem:s7+$0x40]  }
0x23: {  	v5 =	vld [tilespmem:s7+$0x50]  }
0x24: {  	s17 =	simm.s32 $0x0;
	s18 =	simm.s32 $0x800;
	v6 =	vld [tilespmem:s7+$0x60]  }
.LBB2_2:
0x25: {  	p2 =	seq.s32 s18, $0xF800;
	[tilespmem:s17+$0x3F0] =	vst v7  }
0x26: {  	[tilespmem:s17+$0x200] =	vst v0  }
0x27: {  	[tilespmem:s17+$0x210] =	vst v1  }
0x28: {  	[tilespmem:s17+$0x220] =	vst v2  }
0x29: {  	[tilespmem:s17+$0x230] =	vst v3  }
0x2a: {  	[tilespmem:s17+$0x240] =	vst v4  }
0x2b: {  	[tilespmem:s17+$0x250] =	vst v5  }
0x2c: {  	[tilespmem:s17+$0x260] =	vst v6  }
0x2d: {  	[tilespmem:s17+$0x270] =	vst v7  }
0x2e: {  	[tilespmem:s17+$0x280] =	vst v0  }
0x2f: {  	[tilespmem:s17+$0x290] =	vst v1  }
0x30: {  	[tilespmem:s17+$0x2A0] =	vst v2  }
0x31: {  	[tilespmem:s17+$0x2B0] =	vst v3  }
0x32: {  	[tilespmem:s17+$0x2C0] =	vst v4  }
0x33: {  	[tilespmem:s17+$0x2D0] =	vst v5  }
0x34: {  	[tilespmem:s17+$0x2E0] =	vst v6  }
0x35: {  	[tilespmem:s17+$0x2F0] =	vst v7  }
0x36: {  	[tilespmem:s17+$0x300] =	vst v0  }
0x37: {  	[tilespmem:s17+$0x310] =	vst v1  }
0x38: {  	[tilespmem:s17+$0x320] =	vst v2  }
0x39: {  	[tilespmem:s17+$0x330] =	vst v3  }
0x3a: {  	[tilespmem:s17+$0x340] =	vst v4  }
0x3b: {  	[tilespmem:s17+$0x350] =	vst v5  }
0x3c: {  	[tilespmem:s17+$0x360] =	vst v6  }
0x3d: {  	[tilespmem:s17+$0x370] =	vst v7  }
0x3e: {  	[tilespmem:s17+$0x380] =	vst v0  }
0x3f: {  	[tilespmem:s17+$0x390] =	vst v1  }
.Ltmp2:
0x40: {  	[tilespmem:s17+$0x3A0] =	vst v2;
	(pc) =	sbr.rel @!p2 .LBB2_2-.Ltmp2, $4  }
0x41: {  	[tilespmem:s17+$0x3B0] =	vst v3  }
0x42: {  	[tilespmem:s17+$0x3C0] =	vst v4  }
0x43: {  	[tilespmem:s17+$0x3D0] =	vst v5  }
0x44: {  	[tilespmem:s17+$0x3E0] =	vst v6;
	s17 =	sshra.s32 s18, $0x2;
	s18 =	sadd.s32 $0x800, s18  }
0x45: {  	[tilespmem:s17+$0x3F0] =	vst v7  }
0x46: {  	[tilespmem:s17+$0x200] =	vst v0  }
0x47: {  	[tilespmem:s17+$0x210] =	vst v1  }
0x48: {  	[tilespmem:s17+$0x220] =	vst v2  }
0x49: {  	[tilespmem:s17+$0x230] =	vst v3  }
0x4a: {  	[tilespmem:s17+$0x240] =	vst v4  }
0x4b: {  	[tilespmem:s17+$0x250] =	vst v5  }
0x4c: {  	[tilespmem:s17+$0x260] =	vst v6  }
0x4d: {  	[tilespmem:s17+$0x270] =	vst v7  }
0x4e: {  	[tilespmem:s17+$0x280] =	vst v0  }
0x4f: {  	[tilespmem:s17+$0x290] =	vst v1  }
0x50: {  	[tilespmem:s17+$0x2A0] =	vst v2  }
0x51: {  	[tilespmem:s17+$0x2B0] =	vst v3  }
0x52: {  	[tilespmem:s17+$0x2C0] =	vst v4  }
0x53: {  	[tilespmem:s17+$0x2D0] =	vst v5  }
0x54: {  	[tilespmem:s17+$0x2E0] =	vst v6  }
0x55: {  	[tilespmem:s17+$0x2F0] =	vst v7  }
0x56: {  	[tilespmem:s17+$0x300] =	vst v0  }
0x57: {  	[tilespmem:s17+$0x310] =	vst v1  }
0x58: {  	[tilespmem:s17+$0x320] =	vst v2  }
0x59: {  	[tilespmem:s17+$0x330] =	vst v3  }
0x5a: {  	[tilespmem:s17+$0x340] =	vst v4  }
0x5b: {  	[tilespmem:s17+$0x350] =	vst v5  }
0x5c: {  	[tilespmem:s17+$0x360] =	vst v6  }
0x5d: {  	[tilespmem:s17+$0x370] =	vst v7  }
0x5e: {  	[tilespmem:s17+$0x380] =	vst v0  }
0x5f: {  	[tilespmem:s17+$0x390] =	vst v1  }
.Ltmp3:
0x60: {  	[tilespmem:s17+$0x3A0] =	vst v2;
	(pc) =	sbr.rel @!p0 .LBB2_7-.Ltmp3, $4  }
0x61: {  	[tilespmem:s17+$0x3B0] =	vst v3  }
0x62: {  	[tilespmem:s17+$0x3C0] =	vst v4  }
0x63: {  	[tilespmem:s17+$0x3D0] =	vst v5  }
0x64: {  	[tilespmem:s17+$0x3E0] =	vst v6  }
0x65: {  	p2 =	sne.s32 s6, $0x1  }
.Ltmp4:
0x66: {  	_ = 	snop;
	(pc) =	sbr.rel @!p2 .LBB2_6-.Ltmp4, $3  }
0x67: {  	_ =	sdelay $0x1  }
0x68: {  	s18 =	sand.u32 $0x1FFFF800, s10  }
0x69: {  	s17 =	sadd.s32 $0xFFFFFFFF, s6;
	s19 =	sadd.s32 s2, s18;
	s18 =	sadd.s32 $0x800, s10  }
.LBB2_5:
0x6a: {  	[hbm4b:s19+s4] =	stream.linear.scatter [tilespmem:s14], [sflag:$0x1], $0x4000, $0x38;
	[tilespmem:$0xA200] =	vst v63  }
0x6b: {  	p2 =	sne.s32 s17, $0x1  }
.Ltmp5:
0x6c: {  	s17 =	sadd.s32 $0xFFFFFFFF, s17;
	(pc) =	sbr.rel @p2 .LBB2_5-.Ltmp5, $3  }
0x6d: {  	_ =	sdelay $0x1  }
0x6e: {  	s19 =	sand.u32 $0x1FFFF800, s18  }
0x6f: {  	s18 =	sadd.s32 $0x800, s18;
	s19 =	sadd.s32 s2, s19  }
.LBB2_6:
0x70: {  	[hbm4b:s19+s4] =	stream.linear.scatter [tilespmem:s14], [sflag:$0x1], $0x4000, $0x38;
	[tilespmem:$0xA200] =	vst v63  }
.LBB2_7:
0x71: {  	v0 =	vld [tilespmem:s8+$0x0]  }
0x72: {  	v1 =	vld [tilespmem:s8+$0x10]  }
0x73: {  	v2 =	vld [tilespmem:s8+$0x20]  }
0x74: {  	v7 =	vld [tilespmem:s8+$0x70]  }
0x75: {  	v3 =	vld [tilespmem:s8+$0x30]  }
0x76: {  	v4 =	vld [tilespmem:s8+$0x40]  }
0x77: {  	v5 =	vld [tilespmem:s8+$0x50]  }
0x78: {  	v6 =	vld [tilespmem:s8+$0x60];
	s17 =	simm.s32 $0x0;
	s18 =	simm.s32 $0x800  }
.LBB2_8:
0x79: {  	p2 =	seq.s32 s18, $0xF800;
	[tilespmem:s17+$0x43F0] =	vst v7  }
0x7a: {  	[tilespmem:s17+$0x4200] =	vst v0  }
0x7b: {  	[tilespmem:s17+$0x4210] =	vst v1  }
0x7c: {  	[tilespmem:s17+$0x4220] =	vst v2  }
0x7d: {  	[tilespmem:s17+$0x4230] =	vst v3  }
0x7e: {  	[tilespmem:s17+$0x4240] =	vst v4  }
0x7f: {  	[tilespmem:s17+$0x4250] =	vst v5  }
0x80: {  	[tilespmem:s17+$0x4260] =	vst v6  }
0x81: {  	[tilespmem:s17+$0x4270] =	vst v7  }
0x82: {  	[tilespmem:s17+$0x4280] =	vst v0  }
0x83: {  	[tilespmem:s17+$0x4290] =	vst v1  }
0x84: {  	[tilespmem:s17+$0x42A0] =	vst v2  }
0x85: {  	[tilespmem:s17+$0x42B0] =	vst v3  }
0x86: {  	[tilespmem:s17+$0x42C0] =	vst v4  }
0x87: {  	[tilespmem:s17+$0x42D0] =	vst v5  }
0x88: {  	[tilespmem:s17+$0x42E0] =	vst v6  }
0x89: {  	[tilespmem:s17+$0x42F0] =	vst v7  }
0x8a: {  	[tilespmem:s17+$0x4300] =	vst v0  }
0x8b: {  	[tilespmem:s17+$0x4310] =	vst v1  }
0x8c: {  	[tilespmem:s17+$0x4320] =	vst v2  }
0x8d: {  	[tilespmem:s17+$0x4330] =	vst v3  }
0x8e: {  	[tilespmem:s17+$0x4340] =	vst v4  }
0x8f: {  	[tilespmem:s17+$0x4350] =	vst v5  }
0x90: {  	[tilespmem:s17+$0x4360] =	vst v6  }
0x91: {  	[tilespmem:s17+$0x4370] =	vst v7  }
0x92: {  	[tilespmem:s17+$0x4380] =	vst v0  }
0x93: {  	[tilespmem:s17+$0x4390] =	vst v1  }
.Ltmp6:
0x94: {  	[tilespmem:s17+$0x43A0] =	vst v2;
	(pc) =	sbr.rel @!p2 .LBB2_8-.Ltmp6, $4  }
0x95: {  	[tilespmem:s17+$0x43B0] =	vst v3  }
0x96: {  	[tilespmem:s17+$0x43C0] =	vst v4  }
0x97: {  	[tilespmem:s17+$0x43D0] =	vst v5  }
0x98: {  	[tilespmem:s17+$0x43E0] =	vst v6;
	s17 =	sshra.s32 s18, $0x2;
	s18 =	sadd.s32 $0x800, s18  }
0x99: {  	[tilespmem:s17+$0x43F0] =	vst v7  }
0x9a: {  	[tilespmem:s17+$0x4200] =	vst v0  }
0x9b: {  	[tilespmem:s17+$0x4210] =	vst v1  }
0x9c: {  	[tilespmem:s17+$0x4220] =	vst v2  }
0x9d: {  	[tilespmem:s17+$0x4230] =	vst v3  }
0x9e: {  	[tilespmem:s17+$0x4240] =	vst v4  }
0x9f: {  	[tilespmem:s17+$0x4250] =	vst v5  }
0xa0: {  	[tilespmem:s17+$0x4260] =	vst v6  }
0xa1: {  	[tilespmem:s17+$0x4270] =	vst v7  }
0xa2: {  	[tilespmem:s17+$0x4280] =	vst v0  }
0xa3: {  	[tilespmem:s17+$0x4290] =	vst v1  }
0xa4: {  	[tilespmem:s17+$0x42A0] =	vst v2  }
0xa5: {  	[tilespmem:s17+$0x42B0] =	vst v3  }
0xa6: {  	[tilespmem:s17+$0x42C0] =	vst v4  }
0xa7: {  	[tilespmem:s17+$0x42D0] =	vst v5  }
0xa8: {  	[tilespmem:s17+$0x42E0] =	vst v6  }
0xa9: {  	[tilespmem:s17+$0x42F0] =	vst v7  }
0xaa: {  	[tilespmem:s17+$0x4300] =	vst v0  }
0xab: {  	[tilespmem:s17+$0x4310] =	vst v1  }
0xac: {  	[tilespmem:s17+$0x4320] =	vst v2  }
0xad: {  	[tilespmem:s17+$0x4330] =	vst v3  }
0xae: {  	[tilespmem:s17+$0x4340] =	vst v4  }
0xaf: {  	[tilespmem:s17+$0x4350] =	vst v5  }
0xb0: {  	[tilespmem:s17+$0x4360] =	vst v6  }
0xb1: {  	[tilespmem:s17+$0x4370] =	vst v7  }
0xb2: {  	[tilespmem:s17+$0x4380] =	vst v0  }
0xb3: {  	[tilespmem:s17+$0x4390] =	vst v1  }
.Ltmp7:
0xb4: {  	[tilespmem:s17+$0x43A0] =	vst v2;
	(pc) =	sbr.rel @!p1 .LBB2_13-.Ltmp7, $4  }
0xb5: {  	[tilespmem:s17+$0x43B0] =	vst v3  }
0xb6: {  	[tilespmem:s17+$0x43C0] =	vst v4  }
0xb7: {  	[tilespmem:s17+$0x43D0] =	vst v5  }
0xb8: {  	[tilespmem:s17+$0x43E0] =	vst v6  }
0xb9: {  	p2 =	sne.s32 s11, $0x1  }
.Ltmp8:
0xba: {  	_ = 	snop;
	(pc) =	sbr.rel @!p2 .LBB2_12-.Ltmp8, $3  }
0xbb: {  	_ =	sdelay $0x1  }
0xbc: {  	s18 =	sand.u32 $0x1FFFF800, s12  }
0xbd: {  	s17 =	sadd.s32 $0xFFFFFFFF, s11;
	s19 =	sadd.s32 s2, s18;
	s18 =	sadd.s32 $0x800, s12  }
.LBB2_11:
0xbe: {  	[hbm4b:s19+s4] =	stream.linear.scatter [tilespmem:s15], [sflag:$0x1], $0x4000, $0x38;
	[tilespmem:$0xA200] =	vst v63  }
0xbf: {  	p2 =	sne.s32 s17, $0x1  }
.Ltmp9:
0xc0: {  	s17 =	sadd.s32 $0xFFFFFFFF, s17;
	(pc) =	sbr.rel @p2 .LBB2_11-.Ltmp9, $3  }
0xc1: {  	_ =	sdelay $0x1  }
0xc2: {  	s19 =	sand.u32 $0x1FFFF800, s18  }
0xc3: {  	s18 =	sadd.s32 $0x800, s18;
	s19 =	sadd.s32 s2, s19  }
.LBB2_12:
0xc4: {  	[hbm4b:s19+s4] =	stream.linear.scatter [tilespmem:s15], [sflag:$0x1], $0x4000, $0x38;
	[tilespmem:$0xA200] =	vst v63  }
.LBB2_13:
0xc5: {  	_ =	swait.ge [sflag:s5], $0x4000  }
0xc6: {  	s17 =	simm.s32 $0x3B;
	[sflag:s5] =	ssyncset.done $0x0  }
.LBB2_14:
0xc7: {  	p2 =	sne.s32 s17, $0x1;
	s17 =	sadd.s32 $0xFFFFFFFF, s17;
	[sflag:s5] =	ssyncadd.s32 $0xFFFFC000  }
.Ltmp10:
0xc8: {  	(pc) =	sbr.rel @p2 .LBB2_14-.Ltmp10, $3  }
0xc9: {  	_ =	sdelay $0x1  }
0xca: {  	_ =	swait.ge [sflag:s5], $0x4000  }
0xcb: {  	[sflag:s5] =	ssyncset.done $0x0  }
0xcc: {  	s16 =	sadd.s32 $0x1, s16  }
0xcd: {  	p2 =	sne.s32 s16, s9  }
.Ltmp11:
0xce: {  	_ = 	snop;
	(pc) =	sbr.rel @p2 .LBB2_1-.Ltmp11, $2  }
0xcf: {  	_ =	sdelay $0x2  }
0xd0: {  	[sflag:s5] =	ssyncadd.s32 $0xFFFFC000  }
0xd1: {  	_ =	sfence.sel $0x180000  }
0xd2: {  	[bflag:$0x0] =	sbarrier.arrive $0xFFFF  }
0xd3: {  	p0 =	sne.s32 s3, $0x0;
	_ =	strace $0x90000047  }
0xd4: {  	s0 =	sadd.s32 @!p0 $0x100000, s0;
	[bflag:$0x2] =	sbarrier.arrive $0xFFFF  }
0xd5: {  	[sflag:s0] =	ssyncadd.tile.s32 @!p0 $0x1;
	_ =	shalt  }
.Lfunc_end2:
_tile_overlayer_lowered:
.L_overlay_start_2:
0xd6: {  	(tag) =	ssettag $0x2  }
0xd7: {  	s0 =	rddreg [dreg:$0x0];
	s2 =	stileid.u32  }
0xd8: {  	s1 =	rddreg [dreg:$0x1];
	p0 =	sne.s32 s2, $0x0  }
0xd9: {  	s3 =	rddreg [dreg:$0x2];
	[bflag:$0x3] =	sbarrier.arrive $0xFFFF;
	s2 =	simm.s32 @!p0 $0x1C02  }
0xda: {  	[timem:s3], [sflag:s2] =	dma.local @!p0 [hbm:s0], s1  }
0xdb: {  	s0 =	simm.s32 @!p0 $0x2  }
0xdc: {  	_ =	swait.ge @!p0 [sflag:s0], s1  }
0xdd: {  	s1 =	ssub.s32 @!p0 $0x0, s1;
	[sflag:s0] =	ssyncset.done @!p0 $0x0  }
0xde: {  	[sflag:s0] =	ssyncadd.s32 @!p0 s1  }
0xdf: {  	[bflag:$0x3] =	sbarrier.arrive $0xFFFF  }
0xe0: {  	_ =	shalt  }

</sc_bundles>
